<compile_context>
chip_gen: v7x
topology: tpu7x:2x2x1
jax: 0.10.2.dev20260603
libtpu: 0.0.44.dev20260713+nightly
codegen_flags: <defaults>
</compile_context>

<pallas_src>
import functools

import jax
import jax.numpy as jnp
from jax import lax
from jax.experimental import pallas as pl
from jax.experimental.pallas import tpu as pltpu
from jax.experimental.pallas import tpu_sc as plsc

N_NODES = 10000
NP = 10240
N_EDGES = 160000
D = 256
H = 128
NC = 2
NS = 16
EP = 163840
K = 128
NCH = EP // (NS * K)
CHD = EP // (NC * NS * K)
RPT = NP // NS
MB = 1000


def _mesh():
    return plsc.VectorSubcoreMesh(core_axis_name="c", subcore_axis_name="s",
                                  num_cores=NC, num_subcores=NS)


def _sc_degree(dstR, ones, z128):

    @functools.partial(
        pl.kernel,
        out_type=jax.ShapeDtypeStruct((NC * NP, H), jnp.float32),
        mesh=_mesh(),
        scratch_types=[
            pltpu.VMEM((CHD, K), jnp.int32),
            pltpu.VMEM((K, H), jnp.float32),
            pltpu.VMEM_SHARED((NP, H), jnp.float32),
            pltpu.SemaphoreType.DMA,
        ],
    )
    def deg_kernel(dstR_hbm, ones_hbm, z_hbm, deg_hbm, di_v, ones_v, acc_sh, sem):
        c = lax.axis_index("c")
        s = lax.axis_index("s")
        w = c * NS + s
        pltpu.sync_copy(dstR_hbm.at[pl.ds(w * CHD, CHD)], di_v)
        pltpu.sync_copy(ones_hbm, ones_v)
        pltpu.sync_copy(z_hbm, acc_sh.at[pl.ds(s * RPT, RPT)])
        plsc.subcore_barrier()

        def fire(i, carry):
            pltpu.async_copy(ones_v, acc_sh.at[di_v.at[i]], sem, add=True)
            return carry

        lax.fori_loop(0, CHD, fire, 0)

        def drain(i, carry):
            pltpu.make_async_copy(ones_v, acc_sh.at[di_v.at[i]], sem).wait()
            return carry

        lax.fori_loop(0, CHD, drain, 0)
        plsc.subcore_barrier()
        pltpu.sync_copy(acc_sh.at[pl.ds(s * RPT, RPT)],
                        deg_hbm.at[pl.ds(c * NP + s * RPT, RPT)])

    return deg_kernel(dstR, ones, z128)


def _sc_aggregate(g_flat, srcR, dstR, z128):

    @functools.partial(
        pl.kernel,
        out_type=jax.ShapeDtypeStruct((NC * NP, H), jnp.float32),
        mesh=_mesh(),
        scratch_types=[
            pltpu.VMEM((NCH, K), jnp.int32),
            pltpu.VMEM((NCH, K), jnp.int32),
            pltpu.VMEM((K, H), jnp.float32),
            pltpu.VMEM_SHARED((NP, H), jnp.float32),
            pltpu.SemaphoreType.DMA,
        ],
    )
    def agg_kernel(g_hbm, srcR_hbm, dstR_hbm, z_hbm, out_hbm,
                   si_v, di_v, rows_v, acc_sh, semA):
        c = lax.axis_index("c")
        s = lax.axis_index("s")
        w = c * NS + s
        pltpu.sync_copy(srcR_hbm.at[pl.ds(w * NCH, NCH)], si_v)
        pltpu.sync_copy(dstR_hbm.at[pl.ds(s * NCH, NCH)], di_v)
        pltpu.sync_copy(z_hbm, acc_sh.at[pl.ds(s * RPT, RPT)])
        plsc.subcore_barrier()

        def step(p, carry):
            pltpu.async_copy(g_hbm.at[si_v.at[p]], rows_v, semA).wait()
            pltpu.sync_copy(rows_v, acc_sh.at[di_v.at[p]], add=True)
            return carry

        lax.fori_loop(0, NCH, step, 0)
        plsc.subcore_barrier()
        pltpu.sync_copy(acc_sh.at[pl.ds(s * RPT, RPT)],
                        out_hbm.at[pl.ds(c * NP + s * RPT, RPT)])

    return agg_kernel(g_flat, srcR, dstR, z128)


def _tc_mm(x, W1):

    def body(x_ref, w_ref, o_ref):
        o_ref[0] = jnp.dot(x_ref[...], w_ref[...],
                           preferred_element_type=jnp.float32)

    return pl.pallas_call(
        body,
        grid=(N_NODES // MB, NC),
        in_specs=[
            pl.BlockSpec((MB, D), lambda i, j: (i, 0)),
            pl.BlockSpec((D, H), lambda i, j: (0, j)),
        ],
        out_specs=pl.BlockSpec((1, MB, H), lambda i, j: (j, i, 0)),
        out_shape=jax.ShapeDtypeStruct((NC, N_NODES, H), jnp.float32),
    )(x, W1)


def _tc_scale(h, d0, d1):

    def body(h_ref, da_ref, db_ref, o_ref):
        dinv = lax.rsqrt(da_ref[:, 0:1] + db_ref[:, 0:1] + 1.0)
        o_ref[0] = dinv * h_ref[0]

    return pl.pallas_call(
        body,
        grid=(N_NODES // MB, NC),
        in_specs=[
            pl.BlockSpec((1, MB, H), lambda i, j: (j, i, 0)),
            pl.BlockSpec((MB, 16), lambda i, j: (i, 0)),
            pl.BlockSpec((MB, 16), lambda i, j: (i, 0)),
        ],
        out_specs=pl.BlockSpec((1, MB, H), lambda i, j: (j, i, 0)),
        out_shape=jax.ShapeDtypeStruct((NC, N_NODES, H), jnp.float32),
    )(h, d0, d1)


def _tc2_u(g1, d0, d1, b1, W2):

    def body(ga, gb, da_ref, db_ref, b_ref, w_ref, o_ref):
        dinv = lax.rsqrt(da_ref[:, 0:1] + db_ref[:, 0:1] + 1.0)
        y = dinv * jnp.concatenate([ga[0], gb[0]], axis=1) + b_ref[...]
        o_ref[0] = jnp.dot(y, w_ref[...], preferred_element_type=jnp.float32)

    return pl.pallas_call(
        body,
        grid=(N_NODES // MB, NC),
        in_specs=[
            pl.BlockSpec((1, MB, H), lambda i, j: (0, i, 0)),
            pl.BlockSpec((1, MB, H), lambda i, j: (1, i, 0)),
            pl.BlockSpec((MB, 16), lambda i, j: (i, 0)),
            pl.BlockSpec((MB, 16), lambda i, j: (i, 0)),
            pl.BlockSpec((1, D), lambda i, j: (0, 0)),
            pl.BlockSpec((D, H), lambda i, j: (0, j)),
        ],
        out_specs=pl.BlockSpec((1, MB, H), lambda i, j: (j, i, 0)),
        out_shape=jax.ShapeDtypeStruct((NC, N_NODES, H), jnp.float32),
    )(g1, g1, d0, d1, b1, W2)


def _tc2_s(s1a, s1b, u, d0, d1, W2):

    def body(sa, sb, ua, da_ref, db_ref, w_ref, o_ref):
        dinv = lax.rsqrt(da_ref[:, 0:1] + db_ref[:, 0:1] + 1.0)
        t = dinv * jnp.concatenate([sa[...], sb[...]], axis=1)
        o_ref[0] = dinv * (jnp.dot(t, w_ref[...],
                                   preferred_element_type=jnp.float32) + ua[0])

    return pl.pallas_call(
        body,
        grid=(N_NODES // MB, NC),
        in_specs=[
            pl.BlockSpec((MB, H), lambda i, j: (i, 0)),
            pl.BlockSpec((MB, H), lambda i, j: (i, 0)),
            pl.BlockSpec((1, MB, H), lambda i, j: (j, i, 0)),
            pl.BlockSpec((MB, 16), lambda i, j: (i, 0)),
            pl.BlockSpec((MB, 16), lambda i, j: (i, 0)),
            pl.BlockSpec((D, H), lambda i, j: (0, j)),
        ],
        out_specs=pl.BlockSpec((1, MB, H), lambda i, j: (j, i, 0)),
        out_shape=jax.ShapeDtypeStruct((NC, N_NODES, H), jnp.float32),
    )(s1a, s1b, u, d0, d1, W2)


def _tc3_v(g2, d0, d1, b2h):

    def body(g_ref, da_ref, db_ref, b_ref, o_ref):
        dinv = lax.rsqrt(da_ref[:, 0:1] + db_ref[:, 0:1] + 1.0)
        o_ref[0] = dinv * g_ref[0] + b_ref[0]

    return pl.pallas_call(
        body,
        grid=(N_NODES // MB, NC),
        in_specs=[
            pl.BlockSpec((1, MB, H), lambda i, j: (j, i, 0)),
            pl.BlockSpec((MB, 16), lambda i, j: (i, 0)),
            pl.BlockSpec((MB, 16), lambda i, j: (i, 0)),
            pl.BlockSpec((1, 1, H), lambda i, j: (j, 0, 0)),
        ],
        out_specs=pl.BlockSpec((1, MB, H), lambda i, j: (j, i, 0)),
        out_shape=jax.ShapeDtypeStruct((NC, N_NODES, H), jnp.float32),
    )(g2, d0, d1, b2h)


def _tc3_s(s2a, s2b, v, d0, d1):

    def body(sa, sb, va, vb, da_ref, db_ref, o_ref):
        dinv = lax.rsqrt(da_ref[:, 0:1] + db_ref[:, 0:1] + 1.0)
        y = jnp.concatenate([dinv * sa[...] + va[0],
                             dinv * sb[...] + vb[0]], axis=1)
        o_ref[...] = y

    return pl.pallas_call(
        body,
        grid=(N_NODES // MB,),
        in_specs=[
            pl.BlockSpec((MB, H), lambda i: (i, 0)),
            pl.BlockSpec((MB, H), lambda i: (i, 0)),
            pl.BlockSpec((1, MB, H), lambda i: (0, i, 0)),
            pl.BlockSpec((1, MB, H), lambda i: (1, i, 0)),
            pl.BlockSpec((MB, 16), lambda i: (i, 0)),
            pl.BlockSpec((MB, 16), lambda i: (i, 0)),
        ],
        out_specs=pl.BlockSpec((MB, D), lambda i: (i, 0)),
        out_shape=jax.ShapeDtypeStruct((N_NODES, D), jnp.float32),
    )(s2a, s2b, v, v, d0, d1)


def kernel(x, edge_index, W1, b1, W2, b2):
    src = edge_index[0].astype(jnp.int32)
    dst = edge_index[1].astype(jnp.int32)
    pad = jnp.arange(EP - N_EDGES, dtype=jnp.int32)
    src_p = jnp.concatenate([src, pad % N_NODES])
    dst_p = jnp.concatenate([dst, N_NODES + pad % (NP - N_NODES)])
    dstR = dst_p.reshape(NS * NCH, K)
    srcR = jnp.concatenate([src_p, src_p + N_NODES]).reshape(NC * NS * NCH, K)
    ones = jnp.ones((K, H), jnp.float32)
    z128 = jnp.zeros((RPT, H), jnp.float32)
    b1r = b1.reshape(1, D).astype(jnp.float32)
    b2h = b2.reshape(NC, 1, H).astype(jnp.float32)

    degout = _sc_degree(dstR, ones, z128).reshape(NC, NP, H)
    h1 = _tc_mm(x, W1)
    d0 = degout[0, :N_NODES, :16]
    d1 = degout[1, :N_NODES, :16]
    g1 = _tc_scale(h1, d0, d1)
    s1 = _sc_aggregate(g1.reshape(NC * N_NODES, H), srcR, dstR, z128)
    u = _tc2_u(g1, d0, d1, b1r, W2)
    s1 = s1.reshape(NC, NP, H)[:, :N_NODES]
    g2 = _tc2_s(s1[0], s1[1], u, d0, d1, W2)
    s2 = _sc_aggregate(g2.reshape(NC * N_NODES, H), srcR, dstR, z128)
    v = _tc3_v(g2, d0, d1, b2h)
    s2 = s2.reshape(NC, NP, H)[:, :N_NODES]
    return _tc3_s(s2[0], s2[1], v, d0, d1)

# --- scband reference (transcript-rebuilt; emitter-appended) ---
"""Pipeline reference for scband-gcn-32418413150259 (READ-ONLY COPY).

The authoritative reference and input builder live on the scoring server;
editing this copy changes nothing except your own understanding.
"""

import jax, jax.numpy as jnp
import numpy as np

N_NODES = 10000
N_EDGES = 160000
D = 256

def setup_inputs(seed: int = 0) -> dict:
    key = jax.random.key(seed)
    k1, k2, k3, k4, k5, k6 = jax.random.split(key, 6)
    x = jax.random.normal(k1, (N_NODES, D), dtype=jnp.float32)
    edge_index = jax.random.randint(k2, (2, N_EDGES), 0, N_NODES, dtype=jnp.int64)
    # GCNConv layer parameters (glorot-style scale)
    s = 1.0 / np.sqrt(D)
    W1 = jax.random.normal(k3, (D, D), dtype=jnp.float32) * s
    b1 = jnp.zeros((D,), dtype=jnp.float32)
    W2 = jax.random.normal(k4, (D, D), dtype=jnp.float32) * s
    b2 = jnp.zeros((D,), dtype=jnp.float32)
    return {"x": x, "edge_index": edge_index, "W1": W1, "b1": b1, "W2": W2, "b2": b2}


def _gcn_conv(x, edge_index, W, b):
    # Faithful PyG GCNConv: add self-loops, linear transform, D^{-1/2} A D^{-1/2} aggregation, bias.
    N = x.shape[0]
    loop = jnp.arange(N, dtype=edge_index.dtype)
    ei = jnp.concatenate([edge_index, jnp.stack([loop, loop])], axis=1)
    src, dst = ei[0], ei[1]
    h = x @ W
    deg = jnp.zeros((N,), dtype=x.dtype).at[dst].add(jnp.ones_like(dst, dtype=x.dtype))
    deg_inv_sqrt = jnp.where(deg > 0, jax.lax.rsqrt(deg), 0.0)
    norm = deg_inv_sqrt[src] * deg_inv_sqrt[dst]
    msgs = norm[:, None] * jnp.take(h, src, axis=0)
    out = jax.ops.segment_sum(msgs, dst, num_segments=N)
    return out + b


def reference(x, edge_index, W1, b1, W2, b2):
    h = _gcn_conv(x, edge_index, W1, b1)
    h = _gcn_conv(h, edge_index, W2, b2)
    return h

if __name__ == "__main__":
    import jax
    _d = setup_inputs()
    print(jax.jit(kernel)(*tuple(_d.values())))

</pallas_src>

<mosaic_0001>
#map = affine_map<(d0, d1) -> (0, 0)>
module attributes {stable_mosaic.version = 14 : i64} {
  func.func @deg_kernel(%arg0: i32, %arg1: i32, %arg2: memref<1280x128xi32, #tpu.memory_space<hbm>>, %arg3: memref<128x128xf32, #tpu.memory_space<hbm>>, %arg4: memref<640x128xf32, #tpu.memory_space<hbm>>, %arg5: memref<20480x128xf32, #tpu.memory_space<hbm>>, %arg6: memref<40x128xi32, #tpu.memory_space<vmem>>, %arg7: memref<128x128xf32, #tpu.memory_space<vmem>>, %arg8: memref<10240x128xf32, #tpu.memory_space<vmem_shared>>, %arg9: memref<!tpu.dma_semaphore, #tpu.memory_space<semaphore_mem>>) attributes {dimension_semantics = [#tpu.dimension_semantics<core_parallel>, #tpu.dimension_semantics<subcore_parallel>], iteration_bounds = array<i64: 2, 16>, scalar_prefetch = 0 : i64, scratch_operands = 4 : i64, tpu.core_type = #tpu.core_type<sc_vector_subcore>, window_params = [{transform_indices = #map}, {transform_indices = #map}, {transform_indices = #map}, {transform_indices = #map}]} {
    %mul3A = arith.constant 16 : i32
    %mul3A_0 = arith.muli %arg0, %mul3A : i32
    %add3A = arith.addi %mul3A_0, %arg1 : i32
    %mul3A_1 = arith.constant 40 : i32
    %mul3A_2 = arith.muli %add3A, %mul3A_1 : i32
    "tpu.region"() ({
      %run_scoped3A = tpu.sem_alloc : memref<!tpu.dma_semaphore, #tpu.memory_space<semaphore_mem>>
      %dma_start3A = arith.constant 0 : i32
      %dma_start3A_24 = tpu.memref_slice %arg2[%mul3A_2, %dma_start3A] : memref<1280x128xi32, #tpu.memory_space<hbm>> -> memref<40x128xi32, #tpu.memory_space<hbm>>
      %dma_start3A_25 = arith.constant 0 : i32
      %dma_start3A_26 = tpu.memref_slice %arg2[%mul3A_2, %dma_start3A_25] : memref<1280x128xi32, #tpu.memory_space<hbm>> -> memref<40x128xi32, #tpu.memory_space<hbm>>
      tpu.enqueue_dma source(%dma_start3A_26 : memref<40x128xi32, #tpu.memory_space<hbm>>) target(%arg6 : memref<40x128xi32, #tpu.memory_space<vmem>>) target_semaphore(%run_scoped3A : memref<!tpu.dma_semaphore, #tpu.memory_space<semaphore_mem>>)
      %dma_wait3A = arith.constant 0 : i32
      %dma_wait3A_27 = tpu.memref_slice %arg2[%mul3A_2, %dma_wait3A] : memref<1280x128xi32, #tpu.memory_space<hbm>> -> memref<40x128xi32, #tpu.memory_space<hbm>>
      %dma_wait3A_28 = arith.constant 0 : i32
      %dma_wait3A_29 = tpu.memref_slice %arg2[%mul3A_2, %dma_wait3A_28] : memref<1280x128xi32, #tpu.memory_space<hbm>> -> memref<40x128xi32, #tpu.memory_space<hbm>>
      tpu.wait_dma2 semaphore(%run_scoped3A : memref<!tpu.dma_semaphore, #tpu.memory_space<semaphore_mem>>) src(%dma_wait3A_29 : memref<40x128xi32, #tpu.memory_space<hbm>>) dst(%arg6 : memref<40x128xi32, #tpu.memory_space<vmem>>)
      tpu.yield
    }) : () -> ()
    "tpu.region"() ({
      %run_scoped3A = tpu.sem_alloc : memref<!tpu.dma_semaphore, #tpu.memory_space<semaphore_mem>>
      tpu.enqueue_dma source(%arg3 : memref<128x128xf32, #tpu.memory_space<hbm>>) target(%arg7 : memref<128x128xf32, #tpu.memory_space<vmem>>) target_semaphore(%run_scoped3A : memref<!tpu.dma_semaphore, #tpu.memory_space<semaphore_mem>>)
      tpu.wait_dma2 semaphore(%run_scoped3A : memref<!tpu.dma_semaphore, #tpu.memory_space<semaphore_mem>>) src(%arg3 : memref<128x128xf32, #tpu.memory_space<hbm>>) dst(%arg7 : memref<128x128xf32, #tpu.memory_space<vmem>>)
      tpu.yield
    }) : () -> ()
    %mul3A_3 = arith.constant 640 : i32
    %mul3A_4 = arith.muli %arg1, %mul3A_3 : i32
    "tpu.region"() ({
      %run_scoped3A = tpu.sem_alloc : memref<!tpu.dma_semaphore, #tpu.memory_space<semaphore_mem>>
      %dma_start3A = arith.constant 0 : i32
      %dma_start3A_24 = tpu.memref_slice %arg8[%mul3A_4, %dma_start3A] : memref<10240x128xf32, #tpu.memory_space<vmem_shared>> -> memref<640x128xf32, #tpu.memory_space<vmem_shared>>
      tpu.enqueue_dma source(%arg4 : memref<640x128xf32, #tpu.memory_space<hbm>>) target(%dma_start3A_24 : memref<640x128xf32, #tpu.memory_space<vmem_shared>>) target_semaphore(%run_scoped3A : memref<!tpu.dma_semaphore, #tpu.memory_space<semaphore_mem>>)
      %dma_wait3A = arith.constant 0 : i32
      %dma_wait3A_25 = tpu.memref_slice %arg8[%mul3A_4, %dma_wait3A] : memref<10240x128xf32, #tpu.memory_space<vmem_shared>> -> memref<640x128xf32, #tpu.memory_space<vmem_shared>>
      tpu.wait_dma2 semaphore(%run_scoped3A : memref<!tpu.dma_semaphore, #tpu.memory_space<semaphore_mem>>) src(%arg4 : memref<640x128xf32, #tpu.memory_space<hbm>>) dst(%dma_wait3A_25 : memref<640x128xf32, #tpu.memory_space<vmem_shared>>)
      tpu.yield
    }) : () -> ()
    %barrier3A = arith.constant 0 : index
    tpu.barrier barrier_id(%barrier3A)
    %scan3A = arith.constant 0 : i32
    %scan3A_5 = arith.constant 0 : i32
    %scan3A_6 = arith.constant 40 : i32
    %scan3A_7 = arith.addi %scan3A_5, %scan3A_6 : i32
    %scan3A_8 = arith.constant 1 : i32
    scf.for %scan3A_24 = %scan3A_5 to %scan3A_7 step %scan3A_8  : i32 {
      %dma_start3A = arith.constant 0 : i32
      %dma_start3A_25 = tpu.memref_slice %arg6[%scan3A_24, %dma_start3A] : memref<40x128xi32, #tpu.memory_space<vmem>> -> memref<1x128xi32, #tpu.memory_space<vmem>>
      %dma_start3A_26 = tpu.memref_squeeze %dma_start3A_25 : memref<1x128xi32, #tpu.memory_space<vmem>> -> memref<128xi32, #tpu.memory_space<vmem>>
      %dma_start3A_27 = arith.constant 0 : i32
      %dma_start3A_28 = arith.constant 0 : i32
      %dma_start3A_29 = tpu.memref_slice %arg8[%dma_start3A_27, %dma_start3A_28] : memref<10240x128xf32, #tpu.memory_space<vmem_shared>> -> memref<10240x128xf32, #tpu.memory_space<vmem_shared>>
      tpu.enqueue_indirect_dma source(%arg7 : memref<128x128xf32, #tpu.memory_space<vmem>>) target(%dma_start3A_29 : memref<10240x128xf32, #tpu.memory_space<vmem_shared>>) offsets(%dma_start3A_26 : memref<128xi32, #tpu.memory_space<vmem>>) semaphore(%arg9 : memref<!tpu.dma_semaphore, #tpu.memory_space<semaphore_mem>>) {add = true}
    }
    %scan3A_9 = arith.constant 40 : i32
    %scan3A_10 = arith.constant 0 : i32
    %scan3A_11 = arith.constant 0 : i32
    %scan3A_12 = arith.constant 40 : i32
    %scan3A_13 = arith.addi %scan3A_11, %scan3A_12 : i32
    %scan3A_14 = arith.constant 1 : i32
    scf.for %scan3A_24 = %scan3A_11 to %scan3A_13 step %scan3A_14  : i32 {
      %dma_wait3A = arith.constant 0 : i32
      %dma_wait3A_25 = tpu.memref_slice %arg6[%scan3A_24, %dma_wait3A] : memref<40x128xi32, #tpu.memory_space<vmem>> -> memref<1x128xi32, #tpu.memory_space<vmem>>
      %dma_wait3A_26 = tpu.memref_squeeze %dma_wait3A_25 : memref<1x128xi32, #tpu.memory_space<vmem>> -> memref<128xi32, #tpu.memory_space<vmem>>
      %dma_wait3A_27 = arith.constant 0 : i32
      %dma_wait3A_28 = arith.constant 0 : i32
      %dma_wait3A_29 = tpu.memref_slice %arg8[%dma_wait3A_27, %dma_wait3A_28] : memref<10240x128xf32, #tpu.memory_space<vmem_shared>> -> memref<10240x128xf32, #tpu.memory_space<vmem_shared>>
      tpu.wait_indirect_dma semaphore(%arg9 : memref<!tpu.dma_semaphore, #tpu.memory_space<semaphore_mem>>) src(%arg7 : memref<128x128xf32, #tpu.memory_space<vmem>>) dst(%dma_wait3A_29 : memref<10240x128xf32, #tpu.memory_space<vmem_shared>>)
    }
    %scan3A_15 = arith.constant 40 : i32
    %barrier3A_16 = arith.constant 0 : index
    tpu.barrier barrier_id(%barrier3A_16)
    %mul3A_17 = arith.constant 640 : i32
    %mul3A_18 = arith.muli %arg1, %mul3A_17 : i32
    %mul3A_19 = arith.constant 10240 : i32
    %mul3A_20 = arith.muli %arg0, %mul3A_19 : i32
    %mul3A_21 = arith.constant 640 : i32
    %mul3A_22 = arith.muli %arg1, %mul3A_21 : i32
    %add3A_23 = arith.addi %mul3A_20, %mul3A_22 : i32
    "tpu.region"() ({
      %run_scoped3A = tpu.sem_alloc : memref<!tpu.dma_semaphore, #tpu.memory_space<semaphore_mem>>
      %dma_start3A = arith.constant 0 : i32
      %dma_start3A_24 = tpu.memref_slice %arg5[%add3A_23, %dma_start3A] : memref<20480x128xf32, #tpu.memory_space<hbm>> -> memref<640x128xf32, #tpu.memory_space<hbm>>
      %dma_start3A_25 = arith.constant 0 : i32
      %dma_start3A_26 = tpu.memref_slice %arg8[%mul3A_18, %dma_start3A_25] : memref<10240x128xf32, #tpu.memory_space<vmem_shared>> -> memref<640x128xf32, #tpu.memory_space<vmem_shared>>
      tpu.enqueue_dma source(%dma_start3A_26 : memref<640x128xf32, #tpu.memory_space<vmem_shared>>) target(%dma_start3A_24 : memref<640x128xf32, #tpu.memory_space<hbm>>) target_semaphore(%run_scoped3A : memref<!tpu.dma_semaphore, #tpu.memory_space<semaphore_mem>>)
      %dma_wait3A = arith.constant 0 : i32
      %dma_wait3A_27 = tpu.memref_slice %arg5[%add3A_23, %dma_wait3A] : memref<20480x128xf32, #tpu.memory_space<hbm>> -> memref<640x128xf32, #tpu.memory_space<hbm>>
      %dma_wait3A_28 = arith.constant 0 : i32
      %dma_wait3A_29 = tpu.memref_slice %arg8[%mul3A_18, %dma_wait3A_28] : memref<10240x128xf32, #tpu.memory_space<vmem_shared>> -> memref<640x128xf32, #tpu.memory_space<vmem_shared>>
      tpu.wait_dma2 semaphore(%run_scoped3A : memref<!tpu.dma_semaphore, #tpu.memory_space<semaphore_mem>>) src(%dma_wait3A_29 : memref<640x128xf32, #tpu.memory_space<vmem_shared>>) dst(%dma_wait3A_27 : memref<640x128xf32, #tpu.memory_space<hbm>>)
      tpu.yield
    }) : () -> ()
    return
  }
}

#map = affine_map<(d0, d1) -> (0, 0)>
module attributes {stable_mosaic.version = 14 : i64} {
  func.func @agg_kernel(%arg0: i32, %arg1: i32, %arg2: memref<20000x128xf32, #tpu.memory_space<hbm>>, %arg3: memref<2560x128xi32, #tpu.memory_space<hbm>>, %arg4: memref<1280x128xi32, #tpu.memory_space<hbm>>, %arg5: memref<640x128xf32, #tpu.memory_space<hbm>>, %arg6: memref<20480x128xf32, #tpu.memory_space<hbm>>, %arg7: memref<80x128xi32, #tpu.memory_space<vmem>>, %arg8: memref<80x128xi32, #tpu.memory_space<vmem>>, %arg9: memref<128x128xf32, #tpu.memory_space<vmem>>, %arg10: memref<10240x128xf32, #tpu.memory_space<vmem_shared>>, %arg11: memref<!tpu.dma_semaphore, #tpu.memory_space<semaphore_mem>>) attributes {dimension_semantics = [#tpu.dimension_semantics<core_parallel>, #tpu.dimension_semantics<subcore_parallel>], iteration_bounds = array<i64: 2, 16>, scalar_prefetch = 0 : i64, scratch_operands = 5 : i64, tpu.core_type = #tpu.core_type<sc_vector_subcore>, window_params = [{transform_indices = #map}, {transform_indices = #map}, {transform_indices = #map}, {transform_indices = #map}, {transform_indices = #map}]} {
    %mul3A = arith.constant 16 : i32
    %mul3A_0 = arith.muli %arg0, %mul3A : i32
    %add3A = arith.addi %mul3A_0, %arg1 : i32
    %mul3A_1 = arith.constant 80 : i32
    %mul3A_2 = arith.muli %add3A, %mul3A_1 : i32
    "tpu.region"() ({
      %run_scoped3A = tpu.sem_alloc : memref<!tpu.dma_semaphore, #tpu.memory_space<semaphore_mem>>
      %dma_start3A = arith.constant 0 : i32
      %dma_start3A_20 = tpu.memref_slice %arg3[%mul3A_2, %dma_start3A] : memref<2560x128xi32, #tpu.memory_space<hbm>> -> memref<80x128xi32, #tpu.memory_space<hbm>>
      %dma_start3A_21 = arith.constant 0 : i32
      %dma_start3A_22 = tpu.memref_slice %arg3[%mul3A_2, %dma_start3A_21] : memref<2560x128xi32, #tpu.memory_space<hbm>> -> memref<80x128xi32, #tpu.memory_space<hbm>>
      tpu.enqueue_dma source(%dma_start3A_22 : memref<80x128xi32, #tpu.memory_space<hbm>>) target(%arg7 : memref<80x128xi32, #tpu.memory_space<vmem>>) target_semaphore(%run_scoped3A : memref<!tpu.dma_semaphore, #tpu.memory_space<semaphore_mem>>)
      %dma_wait3A = arith.constant 0 : i32
      %dma_wait3A_23 = tpu.memref_slice %arg3[%mul3A_2, %dma_wait3A] : memref<2560x128xi32, #tpu.memory_space<hbm>> -> memref<80x128xi32, #tpu.memory_space<hbm>>
      %dma_wait3A_24 = arith.constant 0 : i32
      %dma_wait3A_25 = tpu.memref_slice %arg3[%mul3A_2, %dma_wait3A_24] : memref<2560x128xi32, #tpu.memory_space<hbm>> -> memref<80x128xi32, #tpu.memory_space<hbm>>
      tpu.wait_dma2 semaphore(%run_scoped3A : memref<!tpu.dma_semaphore, #tpu.memory_space<semaphore_mem>>) src(%dma_wait3A_25 : memref<80x128xi32, #tpu.memory_space<hbm>>) dst(%arg7 : memref<80x128xi32, #tpu.memory_space<vmem>>)
      tpu.yield
    }) : () -> ()
    %mul3A_3 = arith.constant 80 : i32
    %mul3A_4 = arith.muli %arg1, %mul3A_3 : i32
    "tpu.region"() ({
      %run_scoped3A = tpu.sem_alloc : memref<!tpu.dma_semaphore, #tpu.memory_space<semaphore_mem>>
      %dma_start3A = arith.constant 0 : i32
      %dma_start3A_20 = tpu.memref_slice %arg4[%mul3A_4, %dma_start3A] : memref<1280x128xi32, #tpu.memory_space<hbm>> -> memref<80x128xi32, #tpu.memory_space<hbm>>
      %dma_start3A_21 = arith.constant 0 : i32
      %dma_start3A_22 = tpu.memref_slice %arg4[%mul3A_4, %dma_start3A_21] : memref<1280x128xi32, #tpu.memory_space<hbm>> -> memref<80x128xi32, #tpu.memory_space<hbm>>
      tpu.enqueue_dma source(%dma_start3A_22 : memref<80x128xi32, #tpu.memory_space<hbm>>) target(%arg8 : memref<80x128xi32, #tpu.memory_space<vmem>>) target_semaphore(%run_scoped3A : memref<!tpu.dma_semaphore, #tpu.memory_space<semaphore_mem>>)
      %dma_wait3A = arith.constant 0 : i32
      %dma_wait3A_23 = tpu.memref_slice %arg4[%mul3A_4, %dma_wait3A] : memref<1280x128xi32, #tpu.memory_space<hbm>> -> memref<80x128xi32, #tpu.memory_space<hbm>>
      %dma_wait3A_24 = arith.constant 0 : i32
      %dma_wait3A_25 = tpu.memref_slice %arg4[%mul3A_4, %dma_wait3A_24] : memref<1280x128xi32, #tpu.memory_space<hbm>> -> memref<80x128xi32, #tpu.memory_space<hbm>>
      tpu.wait_dma2 semaphore(%run_scoped3A : memref<!tpu.dma_semaphore, #tpu.memory_space<semaphore_mem>>) src(%dma_wait3A_25 : memref<80x128xi32, #tpu.memory_space<hbm>>) dst(%arg8 : memref<80x128xi32, #tpu.memory_space<vmem>>)
      tpu.yield
    }) : () -> ()
    %mul3A_5 = arith.constant 640 : i32
    %mul3A_6 = arith.muli %arg1, %mul3A_5 : i32
    "tpu.region"() ({
      %run_scoped3A = tpu.sem_alloc : memref<!tpu.dma_semaphore, #tpu.memory_space<semaphore_mem>>
      %dma_start3A = arith.constant 0 : i32
      %dma_start3A_20 = tpu.memref_slice %arg10[%mul3A_6, %dma_start3A] : memref<10240x128xf32, #tpu.memory_space<vmem_shared>> -> memref<640x128xf32, #tpu.memory_space<vmem_shared>>
      tpu.enqueue_dma source(%arg5 : memref<640x128xf32, #tpu.memory_space<hbm>>) target(%dma_start3A_20 : memref<640x128xf32, #tpu.memory_space<vmem_shared>>) target_semaphore(%run_scoped3A : memref<!tpu.dma_semaphore, #tpu.memory_space<semaphore_mem>>)
      %dma_wait3A = arith.constant 0 : i32
      %dma_wait3A_21 = tpu.memref_slice %arg10[%mul3A_6, %dma_wait3A] : memref<10240x128xf32, #tpu.memory_space<vmem_shared>> -> memref<640x128xf32, #tpu.memory_space<vmem_shared>>
      tpu.wait_dma2 semaphore(%run_scoped3A : memref<!tpu.dma_semaphore, #tpu.memory_space<semaphore_mem>>) src(%arg5 : memref<640x128xf32, #tpu.memory_space<hbm>>) dst(%dma_wait3A_21 : memref<640x128xf32, #tpu.memory_space<vmem_shared>>)
      tpu.yield
    }) : () -> ()
    %barrier3A = arith.constant 0 : index
    tpu.barrier barrier_id(%barrier3A)
    %scan3A = arith.constant 0 : i32
    %scan3A_7 = arith.constant 0 : i32
    %scan3A_8 = arith.constant 80 : i32
    %scan3A_9 = arith.addi %scan3A_7, %scan3A_8 : i32
    %scan3A_10 = arith.constant 1 : i32
    scf.for %scan3A_20 = %scan3A_7 to %scan3A_9 step %scan3A_10  : i32 {
      %dma_start3A = arith.constant 0 : i32
      %dma_start3A_21 = tpu.memref_slice %arg7[%scan3A_20, %dma_start3A] : memref<80x128xi32, #tpu.memory_space<vmem>> -> memref<1x128xi32, #tpu.memory_space<vmem>>
      %dma_start3A_22 = tpu.memref_squeeze %dma_start3A_21 : memref<1x128xi32, #tpu.memory_space<vmem>> -> memref<128xi32, #tpu.memory_space<vmem>>
      %dma_start3A_23 = arith.constant 0 : i32
      %dma_start3A_24 = arith.constant 0 : i32
      %dma_start3A_25 = tpu.memref_slice %arg2[%dma_start3A_23, %dma_start3A_24] : memref<20000x128xf32, #tpu.memory_space<hbm>> -> memref<20000x128xf32, #tpu.memory_space<hbm>>
      tpu.enqueue_indirect_dma source(%dma_start3A_25 : memref<20000x128xf32, #tpu.memory_space<hbm>>) target(%arg9 : memref<128x128xf32, #tpu.memory_space<vmem>>) offsets(%dma_start3A_22 : memref<128xi32, #tpu.memory_space<vmem>>) semaphore(%arg11 : memref<!tpu.dma_semaphore, #tpu.memory_space<semaphore_mem>>)
      %dma_wait3A = arith.constant 0 : i32
      %dma_wait3A_26 = tpu.memref_slice %arg7[%scan3A_20, %dma_wait3A] : memref<80x128xi32, #tpu.memory_space<vmem>> -> memref<1x128xi32, #tpu.memory_space<vmem>>
      %dma_wait3A_27 = tpu.memref_squeeze %dma_wait3A_26 : memref<1x128xi32, #tpu.memory_space<vmem>> -> memref<128xi32, #tpu.memory_space<vmem>>
      %dma_wait3A_28 = arith.constant 0 : i32
      %dma_wait3A_29 = arith.constant 0 : i32
      %dma_wait3A_30 = tpu.memref_slice %arg2[%dma_wait3A_28, %dma_wait3A_29] : memref<20000x128xf32, #tpu.memory_space<hbm>> -> memref<20000x128xf32, #tpu.memory_space<hbm>>
      tpu.wait_indirect_dma semaphore(%arg11 : memref<!tpu.dma_semaphore, #tpu.memory_space<semaphore_mem>>) src(%dma_wait3A_30 : memref<20000x128xf32, #tpu.memory_space<hbm>>) dst(%arg9 : memref<128x128xf32, #tpu.memory_space<vmem>>)
      "tpu.region"() ({
        %run_scoped3A = tpu.sem_alloc : memref<!tpu.dma_semaphore, #tpu.memory_space<semaphore_mem>>
        %dma_start3A_31 = arith.constant 0 : i32
        %dma_start3A_32 = tpu.memref_slice %arg8[%scan3A_20, %dma_start3A_31] : memref<80x128xi32, #tpu.memory_space<vmem>> -> memref<1x128xi32, #tpu.memory_space<vmem>>
        %dma_start3A_33 = tpu.memref_squeeze %dma_start3A_32 : memref<1x128xi32, #tpu.memory_space<vmem>> -> memref<128xi32, #tpu.memory_space<vmem>>
        %dma_start3A_34 = arith.constant 0 : i32
        %dma_start3A_35 = arith.constant 0 : i32
        %dma_start3A_36 = tpu.memref_slice %arg10[%dma_start3A_34, %dma_start3A_35] : memref<10240x128xf32, #tpu.memory_space<vmem_shared>> -> memref<10240x128xf32, #tpu.memory_space<vmem_shared>>
        tpu.enqueue_indirect_dma source(%arg9 : memref<128x128xf32, #tpu.memory_space<vmem>>) target(%dma_start3A_36 : memref<10240x128xf32, #tpu.memory_space<vmem_shared>>) offsets(%dma_start3A_33 : memref<128xi32, #tpu.memory_space<vmem>>) semaphore(%run_scoped3A : memref<!tpu.dma_semaphore, #tpu.memory_space<semaphore_mem>>) {add = true}
        %dma_wait3A_37 = arith.constant 0 : i32
        %dma_wait3A_38 = tpu.memref_slice %arg8[%scan3A_20, %dma_wait3A_37] : memref<80x128xi32, #tpu.memory_space<vmem>> -> memref<1x128xi32, #tpu.memory_space<vmem>>
        %dma_wait3A_39 = tpu.memref_squeeze %dma_wait3A_38 : memref<1x128xi32, #tpu.memory_space<vmem>> -> memref<128xi32, #tpu.memory_space<vmem>>
        %dma_wait3A_40 = arith.constant 0 : i32
        %dma_wait3A_41 = arith.constant 0 : i32
        %dma_wait3A_42 = tpu.memref_slice %arg10[%dma_wait3A_40, %dma_wait3A_41] : memref<10240x128xf32, #tpu.memory_space<vmem_shared>> -> memref<10240x128xf32, #tpu.memory_space<vmem_shared>>
        tpu.wait_indirect_dma semaphore(%run_scoped3A : memref<!tpu.dma_semaphore, #tpu.memory_space<semaphore_mem>>) src(%arg9 : memref<128x128xf32, #tpu.memory_space<vmem>>) dst(%dma_wait3A_42 : memref<10240x128xf32, #tpu.memory_space<vmem_shared>>)
        tpu.yield
      }) : () -> ()
    }
    %scan3A_11 = arith.constant 80 : i32
    %barrier3A_12 = arith.constant 0 : index
    tpu.barrier barrier_id(%barrier3A_12)
    %mul3A_13 = arith.constant 640 : i32
    %mul3A_14 = arith.muli %arg1, %mul3A_13 : i32
    %mul3A_15 = arith.constant 10240 : i32
    %mul3A_16 = arith.muli %arg0, %mul3A_15 : i32
    %mul3A_17 = arith.constant 640 : i32
    %mul3A_18 = arith.muli %arg1, %mul3A_17 : i32
    %add3A_19 = arith.addi %mul3A_16, %mul3A_18 : i32
    "tpu.region"() ({
      %run_scoped3A = tpu.sem_alloc : memref<!tpu.dma_semaphore, #tpu.memory_space<semaphore_mem>>
      %dma_start3A = arith.constant 0 : i32
      %dma_start3A_20 = tpu.memref_slice %arg6[%add3A_19, %dma_start3A] : memref<20480x128xf32, #tpu.memory_space<hbm>> -> memref<640x128xf32, #tpu.memory_space<hbm>>
      %dma_start3A_21 = arith.constant 0 : i32
      %dma_start3A_22 = tpu.memref_slice %arg10[%mul3A_14, %dma_start3A_21] : memref<10240x128xf32, #tpu.memory_space<vmem_shared>> -> memref<640x128xf32, #tpu.memory_space<vmem_shared>>
      tpu.enqueue_dma source(%dma_start3A_22 : memref<640x128xf32, #tpu.memory_space<vmem_shared>>) target(%dma_start3A_20 : memref<640x128xf32, #tpu.memory_space<hbm>>) target_semaphore(%run_scoped3A : memref<!tpu.dma_semaphore, #tpu.memory_space<semaphore_mem>>)
      %dma_wait3A = arith.constant 0 : i32
      %dma_wait3A_23 = tpu.memref_slice %arg6[%add3A_19, %dma_wait3A] : memref<20480x128xf32, #tpu.memory_space<hbm>> -> memref<640x128xf32, #tpu.memory_space<hbm>>
      %dma_wait3A_24 = arith.constant 0 : i32
      %dma_wait3A_25 = tpu.memref_slice %arg10[%mul3A_14, %dma_wait3A_24] : memref<10240x128xf32, #tpu.memory_space<vmem_shared>> -> memref<640x128xf32, #tpu.memory_space<vmem_shared>>
      tpu.wait_dma2 semaphore(%run_scoped3A : memref<!tpu.dma_semaphore, #tpu.memory_space<semaphore_mem>>) src(%dma_wait3A_25 : memref<640x128xf32, #tpu.memory_space<vmem_shared>>) dst(%dma_wait3A_23 : memref<640x128xf32, #tpu.memory_space<hbm>>)
      tpu.yield
    }) : () -> ()
    return
  }
}

#map = affine_map<(d0, d1) -> (0, 0)>
module attributes {stable_mosaic.version = 14 : i64} {
  func.func @agg_kernel(%arg0: i32, %arg1: i32, %arg2: memref<20000x128xf32, #tpu.memory_space<hbm>>, %arg3: memref<2560x128xi32, #tpu.memory_space<hbm>>, %arg4: memref<1280x128xi32, #tpu.memory_space<hbm>>, %arg5: memref<640x128xf32, #tpu.memory_space<hbm>>, %arg6: memref<20480x128xf32, #tpu.memory_space<hbm>>, %arg7: memref<80x128xi32, #tpu.memory_space<vmem>>, %arg8: memref<80x128xi32, #tpu.memory_space<vmem>>, %arg9: memref<128x128xf32, #tpu.memory_space<vmem>>, %arg10: memref<10240x128xf32, #tpu.memory_space<vmem_shared>>, %arg11: memref<!tpu.dma_semaphore, #tpu.memory_space<semaphore_mem>>) attributes {dimension_semantics = [#tpu.dimension_semantics<core_parallel>, #tpu.dimension_semantics<subcore_parallel>], iteration_bounds = array<i64: 2, 16>, scalar_prefetch = 0 : i64, scratch_operands = 5 : i64, tpu.core_type = #tpu.core_type<sc_vector_subcore>, window_params = [{transform_indices = #map}, {transform_indices = #map}, {transform_indices = #map}, {transform_indices = #map}, {transform_indices = #map}]} {
    %mul3A = arith.constant 16 : i32
    %mul3A_0 = arith.muli %arg0, %mul3A : i32
    %add3A = arith.addi %mul3A_0, %arg1 : i32
    %mul3A_1 = arith.constant 80 : i32
    %mul3A_2 = arith.muli %add3A, %mul3A_1 : i32
    "tpu.region"() ({
      %run_scoped3A = tpu.sem_alloc : memref<!tpu.dma_semaphore, #tpu.memory_space<semaphore_mem>>
      %dma_start3A = arith.constant 0 : i32
      %dma_start3A_20 = tpu.memref_slice %arg3[%mul3A_2, %dma_start3A] : memref<2560x128xi32, #tpu.memory_space<hbm>> -> memref<80x128xi32, #tpu.memory_space<hbm>>
      %dma_start3A_21 = arith.constant 0 : i32
      %dma_start3A_22 = tpu.memref_slice %arg3[%mul3A_2, %dma_start3A_21] : memref<2560x128xi32, #tpu.memory_space<hbm>> -> memref<80x128xi32, #tpu.memory_space<hbm>>
      tpu.enqueue_dma source(%dma_start3A_22 : memref<80x128xi32, #tpu.memory_space<hbm>>) target(%arg7 : memref<80x128xi32, #tpu.memory_space<vmem>>) target_semaphore(%run_scoped3A : memref<!tpu.dma_semaphore, #tpu.memory_space<semaphore_mem>>)
      %dma_wait3A = arith.constant 0 : i32
      %dma_wait3A_23 = tpu.memref_slice %arg3[%mul3A_2, %dma_wait3A] : memref<2560x128xi32, #tpu.memory_space<hbm>> -> memref<80x128xi32, #tpu.memory_space<hbm>>
      %dma_wait3A_24 = arith.constant 0 : i32
      %dma_wait3A_25 = tpu.memref_slice %arg3[%mul3A_2, %dma_wait3A_24] : memref<2560x128xi32, #tpu.memory_space<hbm>> -> memref<80x128xi32, #tpu.memory_space<hbm>>
      tpu.wait_dma2 semaphore(%run_scoped3A : memref<!tpu.dma_semaphore, #tpu.memory_space<semaphore_mem>>) src(%dma_wait3A_25 : memref<80x128xi32, #tpu.memory_space<hbm>>) dst(%arg7 : memref<80x128xi32, #tpu.memory_space<vmem>>)
      tpu.yield
    }) : () -> ()
    %mul3A_3 = arith.constant 80 : i32
    %mul3A_4 = arith.muli %arg1, %mul3A_3 : i32
    "tpu.region"() ({
      %run_scoped3A = tpu.sem_alloc : memref<!tpu.dma_semaphore, #tpu.memory_space<semaphore_mem>>
      %dma_start3A = arith.constant 0 : i32
      %dma_start3A_20 = tpu.memref_slice %arg4[%mul3A_4, %dma_start3A] : memref<1280x128xi32, #tpu.memory_space<hbm>> -> memref<80x128xi32, #tpu.memory_space<hbm>>
      %dma_start3A_21 = arith.constant 0 : i32
      %dma_start3A_22 = tpu.memref_slice %arg4[%mul3A_4, %dma_start3A_21] : memref<1280x128xi32, #tpu.memory_space<hbm>> -> memref<80x128xi32, #tpu.memory_space<hbm>>
      tpu.enqueue_dma source(%dma_start3A_22 : memref<80x128xi32, #tpu.memory_space<hbm>>) target(%arg8 : memref<80x128xi32, #tpu.memory_space<vmem>>) target_semaphore(%run_scoped3A : memref<!tpu.dma_semaphore, #tpu.memory_space<semaphore_mem>>)
      %dma_wait3A = arith.constant 0 : i32
      %dma_wait3A_23 = tpu.memref_slice %arg4[%mul3A_4, %dma_wait3A] : memref<1280x128xi32, #tpu.memory_space<hbm>> -> memref<80x128xi32, #tpu.memory_space<hbm>>
      %dma_wait3A_24 = arith.constant 0 : i32
      %dma_wait3A_25 = tpu.memref_slice %arg4[%mul3A_4, %dma_wait3A_24] : memref<1280x128xi32, #tpu.memory_space<hbm>> -> memref<80x128xi32, #tpu.memory_space<hbm>>
      tpu.wait_dma2 semaphore(%run_scoped3A : memref<!tpu.dma_semaphore, #tpu.memory_space<semaphore_mem>>) src(%dma_wait3A_25 : memref<80x128xi32, #tpu.memory_space<hbm>>) dst(%arg8 : memref<80x128xi32, #tpu.memory_space<vmem>>)
      tpu.yield
    }) : () -> ()
    %mul3A_5 = arith.constant 640 : i32
    %mul3A_6 = arith.muli %arg1, %mul3A_5 : i32
    "tpu.region"() ({
      %run_scoped3A = tpu.sem_alloc : memref<!tpu.dma_semaphore, #tpu.memory_space<semaphore_mem>>
      %dma_start3A = arith.constant 0 : i32
      %dma_start3A_20 = tpu.memref_slice %arg10[%mul3A_6, %dma_start3A] : memref<10240x128xf32, #tpu.memory_space<vmem_shared>> -> memref<640x128xf32, #tpu.memory_space<vmem_shared>>
      tpu.enqueue_dma source(%arg5 : memref<640x128xf32, #tpu.memory_space<hbm>>) target(%dma_start3A_20 : memref<640x128xf32, #tpu.memory_space<vmem_shared>>) target_semaphore(%run_scoped3A : memref<!tpu.dma_semaphore, #tpu.memory_space<semaphore_mem>>)
      %dma_wait3A = arith.constant 0 : i32
      %dma_wait3A_21 = tpu.memref_slice %arg10[%mul3A_6, %dma_wait3A] : memref<10240x128xf32, #tpu.memory_space<vmem_shared>> -> memref<640x128xf32, #tpu.memory_space<vmem_shared>>
      tpu.wait_dma2 semaphore(%run_scoped3A : memref<!tpu.dma_semaphore, #tpu.memory_space<semaphore_mem>>) src(%arg5 : memref<640x128xf32, #tpu.memory_space<hbm>>) dst(%dma_wait3A_21 : memref<640x128xf32, #tpu.memory_space<vmem_shared>>)
      tpu.yield
    }) : () -> ()
    %barrier3A = arith.constant 0 : index
    tpu.barrier barrier_id(%barrier3A)
    %scan3A = arith.constant 0 : i32
    %scan3A_7 = arith.constant 0 : i32
    %scan3A_8 = arith.constant 80 : i32
    %scan3A_9 = arith.addi %scan3A_7, %scan3A_8 : i32
    %scan3A_10 = arith.constant 1 : i32
    scf.for %scan3A_20 = %scan3A_7 to %scan3A_9 step %scan3A_10  : i32 {
      %dma_start3A = arith.constant 0 : i32
      %dma_start3A_21 = tpu.memref_slice %arg7[%scan3A_20, %dma_start3A] : memref<80x128xi32, #tpu.memory_space<vmem>> -> memref<1x128xi32, #tpu.memory_space<vmem>>
      %dma_start3A_22 = tpu.memref_squeeze %dma_start3A_21 : memref<1x128xi32, #tpu.memory_space<vmem>> -> memref<128xi32, #tpu.memory_space<vmem>>
      %dma_start3A_23 = arith.constant 0 : i32
      %dma_start3A_24 = arith.constant 0 : i32
      %dma_start3A_25 = tpu.memref_slice %arg2[%dma_start3A_23, %dma_start3A_24] : memref<20000x128xf32, #tpu.memory_space<hbm>> -> memref<20000x128xf32, #tpu.memory_space<hbm>>
      tpu.enqueue_indirect_dma source(%dma_start3A_25 : memref<20000x128xf32, #tpu.memory_space<hbm>>) target(%arg9 : memref<128x128xf32, #tpu.memory_space<vmem>>) offsets(%dma_start3A_22 : memref<128xi32, #tpu.memory_space<vmem>>) semaphore(%arg11 : memref<!tpu.dma_semaphore, #tpu.memory_space<semaphore_mem>>)
      %dma_wait3A = arith.constant 0 : i32
      %dma_wait3A_26 = tpu.memref_slice %arg7[%scan3A_20, %dma_wait3A] : memref<80x128xi32, #tpu.memory_space<vmem>> -> memref<1x128xi32, #tpu.memory_space<vmem>>
      %dma_wait3A_27 = tpu.memref_squeeze %dma_wait3A_26 : memref<1x128xi32, #tpu.memory_space<vmem>> -> memref<128xi32, #tpu.memory_space<vmem>>
      %dma_wait3A_28 = arith.constant 0 : i32
      %dma_wait3A_29 = arith.constant 0 : i32
      %dma_wait3A_30 = tpu.memref_slice %arg2[%dma_wait3A_28, %dma_wait3A_29] : memref<20000x128xf32, #tpu.memory_space<hbm>> -> memref<20000x128xf32, #tpu.memory_space<hbm>>
      tpu.wait_indirect_dma semaphore(%arg11 : memref<!tpu.dma_semaphore, #tpu.memory_space<semaphore_mem>>) src(%dma_wait3A_30 : memref<20000x128xf32, #tpu.memory_space<hbm>>) dst(%arg9 : memref<128x128xf32, #tpu.memory_space<vmem>>)
      "tpu.region"() ({
        %run_scoped3A = tpu.sem_alloc : memref<!tpu.dma_semaphore, #tpu.memory_space<semaphore_mem>>
        %dma_start3A_31 = arith.constant 0 : i32
        %dma_start3A_32 = tpu.memref_slice %arg8[%scan3A_20, %dma_start3A_31] : memref<80x128xi32, #tpu.memory_space<vmem>> -> memref<1x128xi32, #tpu.memory_space<vmem>>
        %dma_start3A_33 = tpu.memref_squeeze %dma_start3A_32 : memref<1x128xi32, #tpu.memory_space<vmem>> -> memref<128xi32, #tpu.memory_space<vmem>>
        %dma_start3A_34 = arith.constant 0 : i32
        %dma_start3A_35 = arith.constant 0 : i32
        %dma_start3A_36 = tpu.memref_slice %arg10[%dma_start3A_34, %dma_start3A_35] : memref<10240x128xf32, #tpu.memory_space<vmem_shared>> -> memref<10240x128xf32, #tpu.memory_space<vmem_shared>>
        tpu.enqueue_indirect_dma source(%arg9 : memref<128x128xf32, #tpu.memory_space<vmem>>) target(%dma_start3A_36 : memref<10240x128xf32, #tpu.memory_space<vmem_shared>>) offsets(%dma_start3A_33 : memref<128xi32, #tpu.memory_space<vmem>>) semaphore(%run_scoped3A : memref<!tpu.dma_semaphore, #tpu.memory_space<semaphore_mem>>) {add = true}
        %dma_wait3A_37 = arith.constant 0 : i32
        %dma_wait3A_38 = tpu.memref_slice %arg8[%scan3A_20, %dma_wait3A_37] : memref<80x128xi32, #tpu.memory_space<vmem>> -> memref<1x128xi32, #tpu.memory_space<vmem>>
        %dma_wait3A_39 = tpu.memref_squeeze %dma_wait3A_38 : memref<1x128xi32, #tpu.memory_space<vmem>> -> memref<128xi32, #tpu.memory_space<vmem>>
        %dma_wait3A_40 = arith.constant 0 : i32
        %dma_wait3A_41 = arith.constant 0 : i32
        %dma_wait3A_42 = tpu.memref_slice %arg10[%dma_wait3A_40, %dma_wait3A_41] : memref<10240x128xf32, #tpu.memory_space<vmem_shared>> -> memref<10240x128xf32, #tpu.memory_space<vmem_shared>>
        tpu.wait_indirect_dma semaphore(%run_scoped3A : memref<!tpu.dma_semaphore, #tpu.memory_space<semaphore_mem>>) src(%arg9 : memref<128x128xf32, #tpu.memory_space<vmem>>) dst(%dma_wait3A_42 : memref<10240x128xf32, #tpu.memory_space<vmem_shared>>)
        tpu.yield
      }) : () -> ()
    }
    %scan3A_11 = arith.constant 80 : i32
    %barrier3A_12 = arith.constant 0 : index
    tpu.barrier barrier_id(%barrier3A_12)
    %mul3A_13 = arith.constant 640 : i32
    %mul3A_14 = arith.muli %arg1, %mul3A_13 : i32
    %mul3A_15 = arith.constant 10240 : i32
    %mul3A_16 = arith.muli %arg0, %mul3A_15 : i32
    %mul3A_17 = arith.constant 640 : i32
    %mul3A_18 = arith.muli %arg1, %mul3A_17 : i32
    %add3A_19 = arith.addi %mul3A_16, %mul3A_18 : i32
    "tpu.region"() ({
      %run_scoped3A = tpu.sem_alloc : memref<!tpu.dma_semaphore, #tpu.memory_space<semaphore_mem>>
      %dma_start3A = arith.constant 0 : i32
      %dma_start3A_20 = tpu.memref_slice %arg6[%add3A_19, %dma_start3A] : memref<20480x128xf32, #tpu.memory_space<hbm>> -> memref<640x128xf32, #tpu.memory_space<hbm>>
      %dma_start3A_21 = arith.constant 0 : i32
      %dma_start3A_22 = tpu.memref_slice %arg10[%mul3A_14, %dma_start3A_21] : memref<10240x128xf32, #tpu.memory_space<vmem_shared>> -> memref<640x128xf32, #tpu.memory_space<vmem_shared>>
      tpu.enqueue_dma source(%dma_start3A_22 : memref<640x128xf32, #tpu.memory_space<vmem_shared>>) target(%dma_start3A_20 : memref<640x128xf32, #tpu.memory_space<hbm>>) target_semaphore(%run_scoped3A : memref<!tpu.dma_semaphore, #tpu.memory_space<semaphore_mem>>)
      %dma_wait3A = arith.constant 0 : i32
      %dma_wait3A_23 = tpu.memref_slice %arg6[%add3A_19, %dma_wait3A] : memref<20480x128xf32, #tpu.memory_space<hbm>> -> memref<640x128xf32, #tpu.memory_space<hbm>>
      %dma_wait3A_24 = arith.constant 0 : i32
      %dma_wait3A_25 = tpu.memref_slice %arg10[%mul3A_14, %dma_wait3A_24] : memref<10240x128xf32, #tpu.memory_space<vmem_shared>> -> memref<640x128xf32, #tpu.memory_space<vmem_shared>>
      tpu.wait_dma2 semaphore(%run_scoped3A : memref<!tpu.dma_semaphore, #tpu.memory_space<semaphore_mem>>) src(%dma_wait3A_25 : memref<640x128xf32, #tpu.memory_space<vmem_shared>>) dst(%dma_wait3A_23 : memref<640x128xf32, #tpu.memory_space<hbm>>)
      tpu.yield
    }) : () -> ()
    return
  }
}

module attributes {stable_mosaic.version = 14 : i64} {
  func.func @body(%arg0: i32, %arg1: i32, %arg2: memref<1000x256xf32, #tpu.memory_space<vmem>>, %arg3: memref<256x128xf32, #tpu.memory_space<vmem>>, %arg4: memref<1x1000x128xf32, #tpu.memory_space<vmem>>) attributes {dimension_semantics = [#tpu.dimension_semantics<arbitrary>, #tpu.dimension_semantics<arbitrary>], iteration_bounds = array<i64: 10, 2>, scalar_prefetch = 0 : i64, scratch_operands = 0 : i64, tpu.core_type = #tpu.core_type<tc>, window_params = [{transform_indices = @transform_0, window_bounds = array<i64: 1000, 256>}, {transform_indices = @transform_1, window_bounds = array<i64: 256, 128>}, {transform_indices = @transform_2, window_bounds = array<i64: 1, 1000, 128>}]} {
    %get3A = arith.constant 0 : index
    %get3A_0 = arith.constant 0 : index
    %get3A_1 = vector.load %arg2[%get3A, %get3A_0] : memref<1000x256xf32, #tpu.memory_space<vmem>>, vector<1000x256xf32>
    %get3A_2 = arith.constant 0 : index
    %get3A_3 = arith.constant 0 : index
    %get3A_4 = vector.load %arg3[%get3A_2, %get3A_3] : memref<256x128xf32, #tpu.memory_space<vmem>>, vector<256x128xf32>
    %dot_general3A = arith.constant dense<0.000000e+00> : vector<1000x128xf32>
    %dot_general3A_5 = tpu.matmul %get3A_1, %get3A_4, %dot_general3A {dimension_numbers = #tpu.dot_dimension_numbers<[1], [0], [0], [1], [0, 0, 1, 1], [], []>, transpose_lhs_hint = false} : vector<1000x256xf32>, vector<256x128xf32>, vector<1000x128xf32> -> vector<1000x128xf32>
    %swap3A = arith.constant 0 : index
    %swap3A_6 = arith.constant 0 : index
    %swap3A_7 = arith.constant 0 : index
    %swap3A_8 = vector.load %arg4[%swap3A, %swap3A_6, %swap3A_7] : memref<1x1000x128xf32, #tpu.memory_space<vmem>>, vector<1x1000x128xf32>
    %swap3A_9 = vector.shape_cast %swap3A_8 : vector<1x1000x128xf32> to vector<1000x128xf32>
    %swap3A_10 = vector.shape_cast %dot_general3A_5 : vector<1000x128xf32> to vector<1x1000x128xf32>
    tpu.vector_store %arg4[%swap3A, %swap3A_6, %swap3A_7], %swap3A_10 {strides = array<i32>} : memref<1x1000x128xf32, #tpu.memory_space<vmem>>, vector<1x1000x128xf32>,
    return
  }
  func.func @transform_0(%arg0: i32, %arg1: i32) -> (i32, i32) {
    %c0_i32 = arith.constant 0 : i32
    %c0_i32_0 = arith.constant 0 : i32
    return %arg0, %c0_i32 : i32, i32
  }
  func.func @transform_1(%arg0: i32, %arg1: i32) -> (i32, i32) {
    %c0_i32 = arith.constant 0 : i32
    %c0_i32_0 = arith.constant 0 : i32
    return %c0_i32, %arg1 : i32, i32
  }
  func.func @transform_2(%arg0: i32, %arg1: i32) -> (i32, i32, i32) {
    %c0_i32 = arith.constant 0 : i32
    %c0_i32_0 = arith.constant 0 : i32
    return %arg1, %arg0, %c0_i32 : i32, i32, i32
  }
}

module attributes {stable_mosaic.version = 14 : i64} {
  func.func @body(%arg0: i32, %arg1: i32, %arg2: memref<1x1000x128xf32, #tpu.memory_space<vmem>>, %arg3: memref<1000x16xf32, #tpu.memory_space<vmem>>, %arg4: memref<1000x16xf32, #tpu.memory_space<vmem>>, %arg5: memref<1x1000x128xf32, #tpu.memory_space<vmem>>) attributes {dimension_semantics = [#tpu.dimension_semantics<arbitrary>, #tpu.dimension_semantics<arbitrary>], iteration_bounds = array<i64: 10, 2>, scalar_prefetch = 0 : i64, scratch_operands = 0 : i64, tpu.core_type = #tpu.core_type<tc>, window_params = [{transform_indices = @transform_0, window_bounds = array<i64: 1, 1000, 128>}, {transform_indices = @transform_1, window_bounds = array<i64: 1000, 16>}, {transform_indices = @transform_2, window_bounds = array<i64: 1000, 16>}, {transform_indices = @transform_3, window_bounds = array<i64: 1, 1000, 128>}]} {
    %get3A = arith.constant 0 : index
    %get3A_0 = arith.constant 0 : index
    %get3A_1 = vector.load %arg3[%get3A, %get3A_0] : memref<1000x16xf32, #tpu.memory_space<vmem>>, vector<1000x1xf32>
    %get3A_2 = arith.constant 0 : index
    %get3A_3 = arith.constant 0 : index
    %get3A_4 = vector.load %arg4[%get3A_2, %get3A_3] : memref<1000x16xf32, #tpu.memory_space<vmem>>, vector<1000x1xf32>
    %add3A = arith.addf %get3A_1, %get3A_4 : vector<1000x1xf32>
    %add3A_5 = arith.constant 1.000000e+00 : f32
    %add3A_6 = vector.broadcast %add3A_5 : f32 to vector<1000x1xf32>
    %add3A_7 = arith.addf %add3A, %add3A_6 : vector<1000x1xf32>
    %rsqrt3A = math.rsqrt %add3A_7 : vector<1000x1xf32>
    %get3A_8 = arith.constant 0 : index
    %get3A_9 = arith.constant 0 : index
    %get3A_10 = arith.constant 0 : index
    %get3A_11 = vector.load %arg2[%get3A_8, %get3A_9, %get3A_10] : memref<1x1000x128xf32, #tpu.memory_space<vmem>>, vector<1x1000x128xf32>
    %get3A_12 = vector.shape_cast %get3A_11 : vector<1x1000x128xf32> to vector<1000x128xf32>
    %mul3A = vector.broadcast %rsqrt3A : vector<1000x1xf32> to vector<1000x128xf32>
    %mul3A_13 = arith.mulf %mul3A, %get3A_12 : vector<1000x128xf32>
    %swap3A = arith.constant 0 : index
    %swap3A_14 = arith.constant 0 : index
    %swap3A_15 = arith.constant 0 : index
    %swap3A_16 = vector.load %arg5[%swap3A, %swap3A_14, %swap3A_15] : memref<1x1000x128xf32, #tpu.memory_space<vmem>>, vector<1x1000x128xf32>
    %swap3A_17 = vector.shape_cast %swap3A_16 : vector<1x1000x128xf32> to vector<1000x128xf32>
    %swap3A_18 = vector.shape_cast %mul3A_13 : vector<1000x128xf32> to vector<1x1000x128xf32>
    tpu.vector_store %arg5[%swap3A, %swap3A_14, %swap3A_15], %swap3A_18 {strides = array<i32>} : memref<1x1000x128xf32, #tpu.memory_space<vmem>>, vector<1x1000x128xf32>,
    return
  }
  func.func @transform_0(%arg0: i32, %arg1: i32) -> (i32, i32, i32) {
    %c0_i32 = arith.constant 0 : i32
    %c0_i32_0 = arith.constant 0 : i32
    return %arg1, %arg0, %c0_i32 : i32, i32, i32
  }
  func.func @transform_1(%arg0: i32, %arg1: i32) -> (i32, i32) {
    %c0_i32 = arith.constant 0 : i32
    %c0_i32_0 = arith.constant 0 : i32
    return %arg0, %c0_i32 : i32, i32
  }
  func.func @transform_2(%arg0: i32, %arg1: i32) -> (i32, i32) {
    %c0_i32 = arith.constant 0 : i32
    %c0_i32_0 = arith.constant 0 : i32
    return %arg0, %c0_i32 : i32, i32
  }
  func.func @transform_3(%arg0: i32, %arg1: i32) -> (i32, i32, i32) {
    %c0_i32 = arith.constant 0 : i32
    %c0_i32_0 = arith.constant 0 : i32
    return %arg1, %arg0, %c0_i32 : i32, i32, i32
  }
}

module attributes {stable_mosaic.version = 14 : i64} {
  func.func @body(%arg0: i32, %arg1: i32, %arg2: memref<1x1000x128xf32, #tpu.memory_space<vmem>>, %arg3: memref<1x1000x128xf32, #tpu.memory_space<vmem>>, %arg4: memref<1000x16xf32, #tpu.memory_space<vmem>>, %arg5: memref<1000x16xf32, #tpu.memory_space<vmem>>, %arg6: memref<1x256xf32, #tpu.memory_space<vmem>>, %arg7: memref<256x128xf32, #tpu.memory_space<vmem>>, %arg8: memref<1x1000x128xf32, #tpu.memory_space<vmem>>) attributes {dimension_semantics = [#tpu.dimension_semantics<arbitrary>, #tpu.dimension_semantics<arbitrary>], iteration_bounds = array<i64: 10, 2>, scalar_prefetch = 0 : i64, scratch_operands = 0 : i64, tpu.core_type = #tpu.core_type<tc>, window_params = [{transform_indices = @transform_0, window_bounds = array<i64: 1, 1000, 128>}, {transform_indices = @transform_1, window_bounds = array<i64: 1, 1000, 128>}, {transform_indices = @transform_2, window_bounds = array<i64: 1000, 16>}, {transform_indices = @transform_3, window_bounds = array<i64: 1000, 16>}, {pipeline_mode = #tpu.pipeline_mode<synchronous>, transform_indices = @transform_4, window_bounds = array<i64: 1, 256>}, {transform_indices = @transform_5, window_bounds = array<i64: 256, 128>}, {transform_indices = @transform_6, window_bounds = array<i64: 1, 1000, 128>}]} {
    %get3A = arith.constant 0 : index
    %get3A_0 = arith.constant 0 : index
    %get3A_1 = vector.load %arg4[%get3A, %get3A_0] : memref<1000x16xf32, #tpu.memory_space<vmem>>, vector<1000x1xf32>
    %get3A_2 = arith.constant 0 : index
    %get3A_3 = arith.constant 0 : index
    %get3A_4 = vector.load %arg5[%get3A_2, %get3A_3] : memref<1000x16xf32, #tpu.memory_space<vmem>>, vector<1000x1xf32>
    %add3A = arith.addf %get3A_1, %get3A_4 : vector<1000x1xf32>
    %add3A_5 = arith.constant 1.000000e+00 : f32
    %add3A_6 = vector.broadcast %add3A_5 : f32 to vector<1000x1xf32>
    %add3A_7 = arith.addf %add3A, %add3A_6 : vector<1000x1xf32>
    %rsqrt3A = math.rsqrt %add3A_7 : vector<1000x1xf32>
    %get3A_8 = arith.constant 0 : index
    %get3A_9 = arith.constant 0 : index
    %get3A_10 = arith.constant 0 : index
    %get3A_11 = vector.load %arg2[%get3A_8, %get3A_9, %get3A_10] : memref<1x1000x128xf32, #tpu.memory_space<vmem>>, vector<1x1000x128xf32>
    %get3A_12 = vector.shape_cast %get3A_11 : vector<1x1000x128xf32> to vector<1000x128xf32>
    %get3A_13 = arith.constant 0 : index
    %get3A_14 = arith.constant 0 : index
    %get3A_15 = arith.constant 0 : index
    %get3A_16 = vector.load %arg3[%get3A_13, %get3A_14, %get3A_15] : memref<1x1000x128xf32, #tpu.memory_space<vmem>>, vector<1x1000x128xf32>
    %get3A_17 = vector.shape_cast %get3A_16 : vector<1x1000x128xf32> to vector<1000x128xf32>
    %concatenate3A = tpu.concatenate %get3A_12, %get3A_17 in 1 : vector<1000x128xf32>, vector<1000x128xf32> -> vector<1000x256xf32>
    %mul3A = vector.broadcast %rsqrt3A : vector<1000x1xf32> to vector<1000x256xf32>
    %mul3A_18 = arith.mulf %mul3A, %concatenate3A : vector<1000x256xf32>
    %get3A_19 = arith.constant 0 : index
    %get3A_20 = arith.constant 0 : index
    %get3A_21 = vector.load %arg6[%get3A_19, %get3A_20] : memref<1x256xf32, #tpu.memory_space<vmem>>, vector<1x256xf32>
    %add3A_22 = vector.broadcast %get3A_21 : vector<1x256xf32> to vector<1000x256xf32>
    %add3A_23 = arith.addf %mul3A_18, %add3A_22 : vector<1000x256xf32>
    %get3A_24 = arith.constant 0 : index
    %get3A_25 = arith.constant 0 : index
    %get3A_26 = vector.load %arg7[%get3A_24, %get3A_25] : memref<256x128xf32, #tpu.memory_space<vmem>>, vector<256x128xf32>
    %dot_general3A = arith.constant dense<0.000000e+00> : vector<1000x128xf32>
    %dot_general3A_27 = tpu.matmul %add3A_23, %get3A_26, %dot_general3A {dimension_numbers = #tpu.dot_dimension_numbers<[1], [0], [0], [1], [0, 0, 1, 1], [], []>, transpose_lhs_hint = false} : vector<1000x256xf32>, vector<256x128xf32>, vector<1000x128xf32> -> vector<1000x128xf32>
    %swap3A = arith.constant 0 : index
    %swap3A_28 = arith.constant 0 : index
    %swap3A_29 = arith.constant 0 : index
    %swap3A_30 = vector.load %arg8[%swap3A, %swap3A_28, %swap3A_29] : memref<1x1000x128xf32, #tpu.memory_space<vmem>>, vector<1x1000x128xf32>
    %swap3A_31 = vector.shape_cast %swap3A_30 : vector<1x1000x128xf32> to vector<1000x128xf32>
    %swap3A_32 = vector.shape_cast %dot_general3A_27 : vector<1000x128xf32> to vector<1x1000x128xf32>
    tpu.vector_store %arg8[%swap3A, %swap3A_28, %swap3A_29], %swap3A_32 {strides = array<i32>} : memref<1x1000x128xf32, #tpu.memory_space<vmem>>, vector<1x1000x128xf32>,
    return
  }
  func.func @transform_0(%arg0: i32, %arg1: i32) -> (i32, i32, i32) {
    %c0_i32 = arith.constant 0 : i32
    %c0_i32_0 = arith.constant 0 : i32
    %c0_i32_1 = arith.constant 0 : i32
    return %c0_i32, %arg0, %c0_i32_0 : i32, i32, i32
  }
  func.func @transform_1(%arg0: i32, %arg1: i32) -> (i32, i32, i32) {
    %c1_i32 = arith.constant 1 : i32
    %c0_i32 = arith.constant 0 : i32
    %c0_i32_0 = arith.constant 0 : i32
    return %c1_i32, %arg0, %c0_i32 : i32, i32, i32
  }
  func.func @transform_2(%arg0: i32, %arg1: i32) -> (i32, i32) {
    %c0_i32 = arith.constant 0 : i32
    %c0_i32_0 = arith.constant 0 : i32
    return %arg0, %c0_i32 : i32, i32
  }
  func.func @transform_3(%arg0: i32, %arg1: i32) -> (i32, i32) {
    %c0_i32 = arith.constant 0 : i32
    %c0_i32_0 = arith.constant 0 : i32
    return %arg0, %c0_i32 : i32, i32
  }
  func.func @transform_4(%arg0: i32, %arg1: i32) -> (i32, i32) {
    %c0_i32 = arith.constant 0 : i32
    %c0_i32_0 = arith.constant 0 : i32
    %c0_i32_1 = arith.constant 0 : i32
    return %c0_i32, %c0_i32_0 : i32, i32
  }
  func.func @transform_5(%arg0: i32, %arg1: i32) -> (i32, i32) {
    %c0_i32 = arith.constant 0 : i32
    %c0_i32_0 = arith.constant 0 : i32
    return %c0_i32, %arg1 : i32, i32
  }
  func.func @transform_6(%arg0: i32, %arg1: i32) -> (i32, i32, i32) {
    %c0_i32 = arith.constant 0 : i32
    %c0_i32_0 = arith.constant 0 : i32
    return %arg1, %arg0, %c0_i32 : i32, i32, i32
  }
}

module attributes {stable_mosaic.version = 14 : i64} {
  func.func @body(%arg0: i32, %arg1: i32, %arg2: memref<1000x128xf32, #tpu.memory_space<vmem>>, %arg3: memref<1000x128xf32, #tpu.memory_space<vmem>>, %arg4: memref<1x1000x128xf32, #tpu.memory_space<vmem>>, %arg5: memref<1000x16xf32, #tpu.memory_space<vmem>>, %arg6: memref<1000x16xf32, #tpu.memory_space<vmem>>, %arg7: memref<256x128xf32, #tpu.memory_space<vmem>>, %arg8: memref<1x1000x128xf32, #tpu.memory_space<vmem>>) attributes {dimension_semantics = [#tpu.dimension_semantics<arbitrary>, #tpu.dimension_semantics<arbitrary>], iteration_bounds = array<i64: 10, 2>, scalar_prefetch = 0 : i64, scratch_operands = 0 : i64, tpu.core_type = #tpu.core_type<tc>, window_params = [{transform_indices = @transform_0, window_bounds = array<i64: 1000, 128>}, {transform_indices = @transform_1, window_bounds = array<i64: 1000, 128>}, {transform_indices = @transform_2, window_bounds = array<i64: 1, 1000, 128>}, {transform_indices = @transform_3, window_bounds = array<i64: 1000, 16>}, {transform_indices = @transform_4, window_bounds = array<i64: 1000, 16>}, {transform_indices = @transform_5, window_bounds = array<i64: 256, 128>}, {transform_indices = @transform_6, window_bounds = array<i64: 1, 1000, 128>}]} {
    %get3A = arith.constant 0 : index
    %get3A_0 = arith.constant 0 : index
    %get3A_1 = vector.load %arg5[%get3A, %get3A_0] : memref<1000x16xf32, #tpu.memory_space<vmem>>, vector<1000x1xf32>
    %get3A_2 = arith.constant 0 : index
    %get3A_3 = arith.constant 0 : index
    %get3A_4 = vector.load %arg6[%get3A_2, %get3A_3] : memref<1000x16xf32, #tpu.memory_space<vmem>>, vector<1000x1xf32>
    %add3A = arith.addf %get3A_1, %get3A_4 : vector<1000x1xf32>
    %add3A_5 = arith.constant 1.000000e+00 : f32
    %add3A_6 = vector.broadcast %add3A_5 : f32 to vector<1000x1xf32>
    %add3A_7 = arith.addf %add3A, %add3A_6 : vector<1000x1xf32>
    %rsqrt3A = math.rsqrt %add3A_7 : vector<1000x1xf32>
    %get3A_8 = arith.constant 0 : index
    %get3A_9 = arith.constant 0 : index
    %get3A_10 = vector.load %arg2[%get3A_8, %get3A_9] : memref<1000x128xf32, #tpu.memory_space<vmem>>, vector<1000x128xf32>
    %get3A_11 = arith.constant 0 : index
    %get3A_12 = arith.constant 0 : index
    %get3A_13 = vector.load %arg3[%get3A_11, %get3A_12] : memref<1000x128xf32, #tpu.memory_space<vmem>>, vector<1000x128xf32>
    %concatenate3A = tpu.concatenate %get3A_10, %get3A_13 in 1 : vector<1000x128xf32>, vector<1000x128xf32> -> vector<1000x256xf32>
    %mul3A = vector.broadcast %rsqrt3A : vector<1000x1xf32> to vector<1000x256xf32>
    %mul3A_14 = arith.mulf %mul3A, %concatenate3A : vector<1000x256xf32>
    %get3A_15 = arith.constant 0 : index
    %get3A_16 = arith.constant 0 : index
    %get3A_17 = vector.load %arg7[%get3A_15, %get3A_16] : memref<256x128xf32, #tpu.memory_space<vmem>>, vector<256x128xf32>
    %dot_general3A = arith.constant dense<0.000000e+00> : vector<1000x128xf32>
    %dot_general3A_18 = tpu.matmul %mul3A_14, %get3A_17, %dot_general3A {dimension_numbers = #tpu.dot_dimension_numbers<[1], [0], [0], [1], [0, 0, 1, 1], [], []>, transpose_lhs_hint = false} : vector<1000x256xf32>, vector<256x128xf32>, vector<1000x128xf32> -> vector<1000x128xf32>
    %get3A_19 = arith.constant 0 : index
    %get3A_20 = arith.constant 0 : index
    %get3A_21 = arith.constant 0 : index
    %get3A_22 = vector.load %arg4[%get3A_19, %get3A_20, %get3A_21] : memref<1x1000x128xf32, #tpu.memory_space<vmem>>, vector<1x1000x128xf32>
    %get3A_23 = vector.shape_cast %get3A_22 : vector<1x1000x128xf32> to vector<1000x128xf32>
    %add3A_24 = arith.addf %dot_general3A_18, %get3A_23 : vector<1000x128xf32>
    %mul3A_25 = vector.broadcast %rsqrt3A : vector<1000x1xf32> to vector<1000x128xf32>
    %mul3A_26 = arith.mulf %mul3A_25, %add3A_24 : vector<1000x128xf32>
    %swap3A = arith.constant 0 : index
    %swap3A_27 = arith.constant 0 : index
    %swap3A_28 = arith.constant 0 : index
    %swap3A_29 = vector.load %arg8[%swap3A, %swap3A_27, %swap3A_28] : memref<1x1000x128xf32, #tpu.memory_space<vmem>>, vector<1x1000x128xf32>
    %swap3A_30 = vector.shape_cast %swap3A_29 : vector<1x1000x128xf32> to vector<1000x128xf32>
    %swap3A_31 = vector.shape_cast %mul3A_26 : vector<1000x128xf32> to vector<1x1000x128xf32>
    tpu.vector_store %arg8[%swap3A, %swap3A_27, %swap3A_28], %swap3A_31 {strides = array<i32>} : memref<1x1000x128xf32, #tpu.memory_space<vmem>>, vector<1x1000x128xf32>,
    return
  }
  func.func @transform_0(%arg0: i32, %arg1: i32) -> (i32, i32) {
    %c0_i32 = arith.constant 0 : i32
    %c0_i32_0 = arith.constant 0 : i32
    return %arg0, %c0_i32 : i32, i32
  }
  func.func @transform_1(%arg0: i32, %arg1: i32) -> (i32, i32) {
    %c0_i32 = arith.constant 0 : i32
    %c0_i32_0 = arith.constant 0 : i32
    return %arg0, %c0_i32 : i32, i32
  }
  func.func @transform_2(%arg0: i32, %arg1: i32) -> (i32, i32, i32) {
    %c0_i32 = arith.constant 0 : i32
    %c0_i32_0 = arith.constant 0 : i32
    return %arg1, %arg0, %c0_i32 : i32, i32, i32
  }
  func.func @transform_3(%arg0: i32, %arg1: i32) -> (i32, i32) {
    %c0_i32 = arith.constant 0 : i32
    %c0_i32_0 = arith.constant 0 : i32
    return %arg0, %c0_i32 : i32, i32
  }
  func.func @transform_4(%arg0: i32, %arg1: i32) -> (i32, i32) {
    %c0_i32 = arith.constant 0 : i32
    %c0_i32_0 = arith.constant 0 : i32
    return %arg0, %c0_i32 : i32, i32
  }
  func.func @transform_5(%arg0: i32, %arg1: i32) -> (i32, i32) {
    %c0_i32 = arith.constant 0 : i32
    %c0_i32_0 = arith.constant 0 : i32
    return %c0_i32, %arg1 : i32, i32
  }
  func.func @transform_6(%arg0: i32, %arg1: i32) -> (i32, i32, i32) {
    %c0_i32 = arith.constant 0 : i32
    %c0_i32_0 = arith.constant 0 : i32
    return %arg1, %arg0, %c0_i32 : i32, i32, i32
  }
}

module attributes {stable_mosaic.version = 14 : i64} {
  func.func @body(%arg0: i32, %arg1: i32, %arg2: memref<1x1000x128xf32, #tpu.memory_space<vmem>>, %arg3: memref<1000x16xf32, #tpu.memory_space<vmem>>, %arg4: memref<1000x16xf32, #tpu.memory_space<vmem>>, %arg5: memref<1x1x128xf32, #tpu.memory_space<vmem>>, %arg6: memref<1x1000x128xf32, #tpu.memory_space<vmem>>) attributes {dimension_semantics = [#tpu.dimension_semantics<arbitrary>, #tpu.dimension_semantics<arbitrary>], iteration_bounds = array<i64: 10, 2>, scalar_prefetch = 0 : i64, scratch_operands = 0 : i64, tpu.core_type = #tpu.core_type<tc>, window_params = [{transform_indices = @transform_0, window_bounds = array<i64: 1, 1000, 128>}, {transform_indices = @transform_1, window_bounds = array<i64: 1000, 16>}, {transform_indices = @transform_2, window_bounds = array<i64: 1000, 16>}, {transform_indices = @transform_3, window_bounds = array<i64: 1, 1, 128>}, {transform_indices = @transform_4, window_bounds = array<i64: 1, 1000, 128>}]} {
    %get3A = arith.constant 0 : index
    %get3A_0 = arith.constant 0 : index
    %get3A_1 = vector.load %arg3[%get3A, %get3A_0] : memref<1000x16xf32, #tpu.memory_space<vmem>>, vector<1000x1xf32>
    %get3A_2 = arith.constant 0 : index
    %get3A_3 = arith.constant 0 : index
    %get3A_4 = vector.load %arg4[%get3A_2, %get3A_3] : memref<1000x16xf32, #tpu.memory_space<vmem>>, vector<1000x1xf32>
    %add3A = arith.addf %get3A_1, %get3A_4 : vector<1000x1xf32>
    %add3A_5 = arith.constant 1.000000e+00 : f32
    %add3A_6 = vector.broadcast %add3A_5 : f32 to vector<1000x1xf32>
    %add3A_7 = arith.addf %add3A, %add3A_6 : vector<1000x1xf32>
    %rsqrt3A = math.rsqrt %add3A_7 : vector<1000x1xf32>
    %get3A_8 = arith.constant 0 : index
    %get3A_9 = arith.constant 0 : index
    %get3A_10 = arith.constant 0 : index
    %get3A_11 = vector.load %arg2[%get3A_8, %get3A_9, %get3A_10] : memref<1x1000x128xf32, #tpu.memory_space<vmem>>, vector<1x1000x128xf32>
    %get3A_12 = vector.shape_cast %get3A_11 : vector<1x1000x128xf32> to vector<1000x128xf32>
    %mul3A = vector.broadcast %rsqrt3A : vector<1000x1xf32> to vector<1000x128xf32>
    %mul3A_13 = arith.mulf %mul3A, %get3A_12 : vector<1000x128xf32>
    %get3A_14 = arith.constant 0 : index
    %get3A_15 = arith.constant 0 : index
    %get3A_16 = arith.constant 0 : index
    %get3A_17 = vector.load %arg5[%get3A_14, %get3A_15, %get3A_16] : memref<1x1x128xf32, #tpu.memory_space<vmem>>, vector<1x1x128xf32>
    %get3A_18 = vector.shape_cast %get3A_17 : vector<1x1x128xf32> to vector<1x128xf32>
    %add3A_19 = vector.broadcast %get3A_18 : vector<1x128xf32> to vector<1000x128xf32>
    %add3A_20 = arith.addf %mul3A_13, %add3A_19 : vector<1000x128xf32>
    %swap3A = arith.constant 0 : index
    %swap3A_21 = arith.constant 0 : index
    %swap3A_22 = arith.constant 0 : index
    %swap3A_23 = vector.load %arg6[%swap3A, %swap3A_21, %swap3A_22] : memref<1x1000x128xf32, #tpu.memory_space<vmem>>, vector<1x1000x128xf32>
    %swap3A_24 = vector.shape_cast %swap3A_23 : vector<1x1000x128xf32> to vector<1000x128xf32>
    %swap3A_25 = vector.shape_cast %add3A_20 : vector<1000x128xf32> to vector<1x1000x128xf32>
    tpu.vector_store %arg6[%swap3A, %swap3A_21, %swap3A_22], %swap3A_25 {strides = array<i32>} : memref<1x1000x128xf32, #tpu.memory_space<vmem>>, vector<1x1000x128xf32>,
    return
  }
  func.func @transform_0(%arg0: i32, %arg1: i32) -> (i32, i32, i32) {
    %c0_i32 = arith.constant 0 : i32
    %c0_i32_0 = arith.constant 0 : i32
    return %arg1, %arg0, %c0_i32 : i32, i32, i32
  }
  func.func @transform_1(%arg0: i32, %arg1: i32) -> (i32, i32) {
    %c0_i32 = arith.constant 0 : i32
    %c0_i32_0 = arith.constant 0 : i32
    return %arg0, %c0_i32 : i32, i32
  }
  func.func @transform_2(%arg0: i32, %arg1: i32) -> (i32, i32) {
    %c0_i32 = arith.constant 0 : i32
    %c0_i32_0 = arith.constant 0 : i32
    return %arg0, %c0_i32 : i32, i32
  }
  func.func @transform_3(%arg0: i32, %arg1: i32) -> (i32, i32, i32) {
    %c0_i32 = arith.constant 0 : i32
    %c0_i32_0 = arith.constant 0 : i32
    %c0_i32_1 = arith.constant 0 : i32
    return %arg1, %c0_i32, %c0_i32_0 : i32, i32, i32
  }
  func.func @transform_4(%arg0: i32, %arg1: i32) -> (i32, i32, i32) {
    %c0_i32 = arith.constant 0 : i32
    %c0_i32_0 = arith.constant 0 : i32
    return %arg1, %arg0, %c0_i32 : i32, i32, i32
  }
}

module attributes {stable_mosaic.version = 14 : i64} {
  func.func @body(%arg0: i32, %arg1: memref<1000x128xf32, #tpu.memory_space<vmem>>, %arg2: memref<1000x128xf32, #tpu.memory_space<vmem>>, %arg3: memref<1x1000x128xf32, #tpu.memory_space<vmem>>, %arg4: memref<1x1000x128xf32, #tpu.memory_space<vmem>>, %arg5: memref<1000x16xf32, #tpu.memory_space<vmem>>, %arg6: memref<1000x16xf32, #tpu.memory_space<vmem>>, %arg7: memref<1000x256xf32, #tpu.memory_space<vmem>>) attributes {dimension_semantics = [#tpu.dimension_semantics<arbitrary>], iteration_bounds = array<i64: 10>, scalar_prefetch = 0 : i64, scratch_operands = 0 : i64, tpu.core_type = #tpu.core_type<tc>, window_params = [{transform_indices = @transform_0, window_bounds = array<i64: 1000, 128>}, {transform_indices = @transform_1, window_bounds = array<i64: 1000, 128>}, {transform_indices = @transform_2, window_bounds = array<i64: 1, 1000, 128>}, {transform_indices = @transform_3, window_bounds = array<i64: 1, 1000, 128>}, {transform_indices = @transform_4, window_bounds = array<i64: 1000, 16>}, {transform_indices = @transform_5, window_bounds = array<i64: 1000, 16>}, {transform_indices = @transform_6, window_bounds = array<i64: 1000, 256>}]} {
    %get3A = arith.constant 0 : index
    %get3A_0 = arith.constant 0 : index
    %get3A_1 = vector.load %arg5[%get3A, %get3A_0] : memref<1000x16xf32, #tpu.memory_space<vmem>>, vector<1000x1xf32>
    %get3A_2 = arith.constant 0 : index
    %get3A_3 = arith.constant 0 : index
    %get3A_4 = vector.load %arg6[%get3A_2, %get3A_3] : memref<1000x16xf32, #tpu.memory_space<vmem>>, vector<1000x1xf32>
    %add3A = arith.addf %get3A_1, %get3A_4 : vector<1000x1xf32>
    %add3A_5 = arith.constant 1.000000e+00 : f32
    %add3A_6 = vector.broadcast %add3A_5 : f32 to vector<1000x1xf32>
    %add3A_7 = arith.addf %add3A, %add3A_6 : vector<1000x1xf32>
    %rsqrt3A = math.rsqrt %add3A_7 : vector<1000x1xf32>
    %get3A_8 = arith.constant 0 : index
    %get3A_9 = arith.constant 0 : index
    %get3A_10 = vector.load %arg1[%get3A_8, %get3A_9] : memref<1000x128xf32, #tpu.memory_space<vmem>>, vector<1000x128xf32>
    %mul3A = vector.broadcast %rsqrt3A : vector<1000x1xf32> to vector<1000x128xf32>
    %mul3A_11 = arith.mulf %mul3A, %get3A_10 : vector<1000x128xf32>
    %get3A_12 = arith.constant 0 : index
    %get3A_13 = arith.constant 0 : index
    %get3A_14 = arith.constant 0 : index
    %get3A_15 = vector.load %arg3[%get3A_12, %get3A_13, %get3A_14] : memref<1x1000x128xf32, #tpu.memory_space<vmem>>, vector<1x1000x128xf32>
    %get3A_16 = vector.shape_cast %get3A_15 : vector<1x1000x128xf32> to vector<1000x128xf32>
    %add3A_17 = arith.addf %mul3A_11, %get3A_16 : vector<1000x128xf32>
    %get3A_18 = arith.constant 0 : index
    %get3A_19 = arith.constant 0 : index
    %get3A_20 = vector.load %arg2[%get3A_18, %get3A_19] : memref<1000x128xf32, #tpu.memory_space<vmem>>, vector<1000x128xf32>
    %mul3A_21 = vector.broadcast %rsqrt3A : vector<1000x1xf32> to vector<1000x128xf32>
    %mul3A_22 = arith.mulf %mul3A_21, %get3A_20 : vector<1000x128xf32>
    %get3A_23 = arith.constant 0 : index
    %get3A_24 = arith.constant 0 : index
    %get3A_25 = arith.constant 0 : index
    %get3A_26 = vector.load %arg4[%get3A_23, %get3A_24, %get3A_25] : memref<1x1000x128xf32, #tpu.memory_space<vmem>>, vector<1x1000x128xf32>
    %get3A_27 = vector.shape_cast %get3A_26 : vector<1x1000x128xf32> to vector<1000x128xf32>
    %add3A_28 = arith.addf %mul3A_22, %get3A_27 : vector<1000x128xf32>
    %concatenate3A = tpu.concatenate %add3A_17, %add3A_28 in 1 : vector<1000x128xf32>, vector<1000x128xf32> -> vector<1000x256xf32>
    %swap3A = arith.constant 0 : index
    %swap3A_29 = arith.constant 0 : index
    %swap3A_30 = vector.load %arg7[%swap3A, %swap3A_29] : memref<1000x256xf32, #tpu.memory_space<vmem>>, vector<1000x256xf32>
    tpu.vector_store %arg7[%swap3A, %swap3A_29], %concatenate3A {strides = array<i32>} : memref<1000x256xf32, #tpu.memory_space<vmem>>, vector<1000x256xf32>,
    return
  }
  func.func @transform_0(%arg0: i32) -> (i32, i32) {
    %c0_i32 = arith.constant 0 : i32
    %c0_i32_0 = arith.constant 0 : i32
    return %arg0, %c0_i32 : i32, i32
  }
  func.func @transform_1(%arg0: i32) -> (i32, i32) {
    %c0_i32 = arith.constant 0 : i32
    %c0_i32_0 = arith.constant 0 : i32
    return %arg0, %c0_i32 : i32, i32
  }
  func.func @transform_2(%arg0: i32) -> (i32, i32, i32) {
    %c0_i32 = arith.constant 0 : i32
    %c0_i32_0 = arith.constant 0 : i32
    %c0_i32_1 = arith.constant 0 : i32
    return %c0_i32, %arg0, %c0_i32_0 : i32, i32, i32
  }
  func.func @transform_3(%arg0: i32) -> (i32, i32, i32) {
    %c1_i32 = arith.constant 1 : i32
    %c0_i32 = arith.constant 0 : i32
    %c0_i32_0 = arith.constant 0 : i32
    return %c1_i32, %arg0, %c0_i32 : i32, i32, i32
  }
  func.func @transform_4(%arg0: i32) -> (i32, i32) {
    %c0_i32 = arith.constant 0 : i32
    %c0_i32_0 = arith.constant 0 : i32
    return %arg0, %c0_i32 : i32, i32
  }
  func.func @transform_5(%arg0: i32) -> (i32, i32) {
    %c0_i32 = arith.constant 0 : i32
    %c0_i32_0 = arith.constant 0 : i32
    return %arg0, %c0_i32 : i32, i32
  }
  func.func @transform_6(%arg0: i32) -> (i32, i32) {
    %c0_i32 = arith.constant 0 : i32
    %c0_i32_0 = arith.constant 0 : i32
    return %arg0, %c0_i32 : i32, i32
  }
}

</mosaic_0001>

<sc_bundles>
// kernel: kernel.11.cloned.1.call-start
scs
__scs_entry_jumppad:
0x0: {  	(pc) =	sbr.rel $0x88, $3  }
0x1: {  	(tag) =	ssettag $0x0;
	lr =	simm.s32 $0x1  }
0x2: {  	[smem:$0x3F9B] =	sst lr;
	_ =	strace $0xD0000000  }
0x3: {  	_ = 	snop  }
0x4: {  	_ = 	snop  }
0x5: {  	_ = 	snop  }
0x6: {  	_ = 	snop  }
0x7: {  	_ = 	snop  }
__scs_overlays_trampoline_lowered:
0x8: {  	[smem:$0x3FAA] =	sst s0  }
0x9: {  	[smem:$0x3FAB] =	sst s1  }
0xa: {  	[smem:$0x3FAC] =	sst s2  }
0xb: {  	[smem:$0x3FAD] =	sst s3  }
0xc: {  	[smem:$0x3FAE] =	sst s4  }
0xd: {  	[smem:$0x3FAF] =	sst s5  }
0xe: {  	[smem:$0x3FB0] =	sst s6  }
0xf: {  	[smem:$0x3FB1] =	sst s7  }
0x10: {  	[smem:$0x3FB2] =	sst s8  }
0x11: {  	[smem:$0x3FB3] =	sst s9;
	s0 =	simm.s32 @!p0 $0x0  }
0x12: {  	s1 =	sld [smem:$0x3F99];
	s0 =	simm.s32 @p0 $0x1  }
0x13: {  	[smem:$0x3FB4] =	sst s0;
	s0 =	simm.s32 @!p1 $0x0  }
0x14: {  	s2 =	sld [smem:$0x3F98];
	s0 =	simm.s32 @p1 $0x1  }
0x15: {  	[smem:$0x3FB5] =	sst s0;
	s0 =	simm.s32 @!p2 $0x0  }
0x16: {  	s3 =	sld [smem:$0x3FDB];
	s0 =	simm.s32 @p2 $0x1  }
0x17: {  	s4 =	simm.s32 $0x1BF5;
	[smem:$0x3FB7] =	sst s0  }
0x18: {  	s0 =	sld [smem:$0x3F9A];
	_ =	swait.ge [sflag:s4], $0x0  }
0x19: {  	s7 =	sld [smem:$0x3F9B]  }
0x1a: {  	s8 =	sadd.s32 $0xFFFFE003, lr  }
0x1b: {  	s9 =	sadd.s32 $0xFFFFFEF7, lr;
	s5 =	simm.s32 $0xFFFFFFFF;
	p2 =	slt.u32 s8, $0xFFFFF086  }
0x1c: {  	p1 =	slt.u32 s9, $0xF7A;
	s5 =	simm.s32 @!p2 $0x0  }
0x1d: {  	s5 =	simm.s32 @p1 $0x1;
	p0 =	seq.s32 s7, s2  }
0x1e: {  	s7 =	smul.u32 @!p0 $0xF7A, s2;
	p2 =	seq.s32 @!p0 s5, $0x0  }
0x1f: {  	s9 =	smul.u32 $0xF7A, s1;
	s8 =	simm.s32 @!p0 $0x1BF5;
	p2 =	por !p2, p0  }
0x20: {  	[sflag:s8] =	ssyncset.s32 @!p0 $0xFFFFF086;
	s6 =	sadd.s32 @!p0 s3, s7;
	s7 =	simm.s32 @!p0 $0x108  }
0x21: {  	s3 =	sadd.s32 s3, s9;
	s6 =	sadd.s32 @!p0 $0x88, s6;
	s7 =	simm.s32 @p2 $0x1082  }
0x22: {  	[simem:s7], [sflag:s8] =	dma.local @!p0 [hbm:s6], $0xF7A  }
0x23: {  	s9 =	sor.u32 $0xD0000000, s2;
	s6 =	simm.s32 $0x108;
	_ =	swait.ge @!p0 [sflag:s8], $0x0  }
0x24: {  	s3 =	sadd.s32 $0x88, s3;
	s6 =	simm.s32 @!p1 $0x1082;
	[sflag:s4] =	ssyncset.s32 $0xFFFFF086  }
0x25: {  	[simem:s6], [sflag:s4] =	dma.local [hbm:s3], $0xF7A  }
0x26: {  	[smem:$0x3F9B] =	sst s1;
	(tag) =	ssettag s2;
	_ =	strace s9  }
0x27: {  	s1 =	sld [smem:$0x3FAB]  }
0x28: {  	s2 =	sld [smem:$0x3FAC]  }
0x29: {  	s4 =	sld [smem:$0x3FAE]  }
0x2a: {  	p0 =	seq.s32 s5, $0x0;
	s5 =	sld [smem:$0x3FAF]  }
0x2b: {  	s6 =	sld [smem:$0x3FB0]  }
0x2c: {  	s7 =	sld [smem:$0x3FB1]  }
0x2d: {  	s3 =	simm.s32 $0x108;
	s8 =	sld [smem:$0x3FB2]  }
0x2e: {  	s3 =	simm.s32 @!p0 $0x1082;
	s9 =	sld [smem:$0x3FB3]  }
0x2f: {  	lr =	sadd.s32 s0, s3;
	s0 =	sld [smem:$0x3FAA]  }
0x30: {  	s3 =	sld [smem:$0x3FAD]  }
0x31: {  	[smem:$0x3FB6] =	sst s10  }
0x32: {  	s10 =	sld [smem:$0x3FB4];
	_ =	sdelay $0x3  }
0x33: {  	p0 =	seq.s32 s10, $0x1;
	s10 =	sld [smem:$0x3FB6];
	_ =	sdelay $0x3  }
0x34: {  	[smem:$0x3FB6] =	sst s10  }
0x35: {  	s10 =	sld [smem:$0x3FB5];
	_ =	sdelay $0x3  }
0x36: {  	p1 =	seq.s32 s10, $0x1;
	s10 =	sld [smem:$0x3FB6];
	_ =	sdelay $0x3  }
0x37: {  	[smem:$0x3FB6] =	sst s10  }
0x38: {  	s10 =	sld [smem:$0x3FB7]  }
0x39: {  	_ = 	snop;
	(pc) =	sbr.ind lr, $3  }
0x3a: {  	_ = 	snop  }
0x3b: {  	_ = 	snop  }
0x3c: {  	p2 =	seq.s32 s10, $0x1;
	s10 =	sld [smem:$0x3FB6]  }
0x3d: {  	_ =	shalt  }
0x3e: {  	_ =	shalt  }
0x3f: {  	_ =	shalt  }
0x40: {  	_ =	shalt  }
0x41: {  	_ =	shalt  }
0x42: {  	_ =	shalt  }
0x43: {  	_ =	shalt  }
0x44: {  	_ =	shalt  }
0x45: {  	_ =	shalt  }
0x46: {  	_ =	shalt  }
0x47: {  	_ =	shalt  }
0x48: {  	_ =	shalt  }
0x49: {  	_ =	shalt  }
0x4a: {  	_ =	shalt  }
0x4b: {  	_ =	shalt  }
0x4c: {  	_ =	shalt  }
0x4d: {  	_ =	shalt  }
0x4e: {  	_ =	shalt  }
0x4f: {  	_ =	shalt  }
0x50: {  	_ =	shalt  }
0x51: {  	_ =	shalt  }
0x52: {  	_ =	shalt  }
0x53: {  	_ =	shalt  }
0x54: {  	_ =	shalt  }
0x55: {  	_ =	shalt  }
0x56: {  	_ =	shalt  }
0x57: {  	_ =	shalt  }
0x58: {  	_ =	shalt  }
0x59: {  	_ =	shalt  }
0x5a: {  	_ =	shalt  }
0x5b: {  	_ =	shalt  }
0x5c: {  	_ =	shalt  }
0x5d: {  	_ =	shalt  }
0x5e: {  	_ =	shalt  }
0x5f: {  	_ =	shalt  }
0x60: {  	_ =	shalt  }
0x61: {  	_ =	shalt  }
0x62: {  	_ =	shalt  }
0x63: {  	_ =	shalt  }
0x64: {  	_ =	shalt  }
0x65: {  	_ =	shalt  }
0x66: {  	_ =	shalt  }
0x67: {  	_ =	shalt  }
0x68: {  	_ =	shalt  }
0x69: {  	_ =	shalt  }
0x6a: {  	_ =	shalt  }
0x6b: {  	_ =	shalt  }
0x6c: {  	_ =	shalt  }
0x6d: {  	_ =	shalt  }
0x6e: {  	_ =	shalt  }
0x6f: {  	_ =	shalt  }
0x70: {  	_ =	shalt  }
0x71: {  	_ =	shalt  }
0x72: {  	_ =	shalt  }
0x73: {  	_ =	shalt  }
0x74: {  	_ =	shalt  }
0x75: {  	_ =	shalt  }
0x76: {  	_ =	shalt  }
0x77: {  	_ =	shalt  }
0x78: {  	_ =	shalt  }
0x79: {  	_ =	shalt  }
0x7a: {  	_ =	shalt  }
0x7b: {  	_ =	shalt  }
0x7c: {  	_ =	shalt  }
0x7d: {  	_ =	shalt  }
0x7e: {  	_ =	shalt  }
0x7f: {  	_ =	shalt  }
0x80: {  	_ =	shalt  }
0x81: {  	_ =	shalt  }
0x82: {  	_ =	shalt  }
0x83: {  	_ =	shalt  }
0x84: {  	_ =	shalt  }
0x85: {  	_ =	shalt  }
0x86: {  	_ =	shalt  }
0x87: {  	_ =	shalt  }
.Lfunc_end0:
.L_simem_size_0:
called_computation_lowered:
.L_overlay_start_0:
0x88: {  	s2 =	sld [smem:$0x3FD9]  }
0x89: {  	s3 =	sld [smem:$0x3FFE];
	_ =	sdelay $0x1  }
0x8a: {  	s1 =	srdreg.scid  }
0x8b: {  	s0 =	sand.u32 $0x1, s1  }
0x8c: {  	s16 =	sshll.u32 s0, $0xA;
	s2 =	sadd.s32 s3, s2  }
0x8d: {  	s2 =	sadd.s32 s2, s16  }
0x8e: {  	[smem:$0x3FC2] =	sst s2  }
0x8f: {  	_ = 	snop  }
0x90: {  	(tm) =	ssettm $0x1  }
0x91: {  	s17 =	sld [smem:$0x3FFB];
	_ =	sdelay $0x3  }
0x92: {  	_ =	strace s17  }
0x93: {  	s2 =	sld [smem:$0x3FFC];
	_ =	sdelay $0x3  }
0x94: {  	_ =	strace s2  }
0x95: {  	s2 =	sld [smem:$0x3FFD];
	_ =	sdelay $0x3  }
0x96: {  	_ =	strace s2  }
0x97: {  	_ =	strace $0x8FFFFFFF  }
0x98: {  	s18 =	sld [smem:$0x3FDB];
	_ =	sdelay $0x1  }
0x99: {  	s19 =	simm.s32 $_scs_section_size  }
0x9a: {  	s4 =	simm.s32 $_size__tile_overlayer_lowered;
	s5 =	simm.s32 $_tile_overlayer_lowered  }
0x9b: {  	s22 =	simm.s32 $0x1BFF;
	s21 =	sshll.u32 s5, $0x1;
	s2 =	sadd.s32 s19, s18  }
0x9c: {  	s6 =	simm.s32 $0x0;
	s20 =	sshll.u32 s4, $0x1;
	s4 =	sadd.s32 s21, s2  }
0x9d: {  	[timem:s6], [sflag:s22] =	dma.local [hbm:s4], s20  }
0x9e: {  	_ =	swait.ge [sflag:s22], s20  }
0x9f: {  	s3 =	ssub.s32 $0x0, s20;
	[sflag:s22] =	ssyncset.done $0x0  }
0xa0: {  	[sflag:s22] =	ssyncadd.s32 s3;
	_ =	sdelay $0x1  }
0xa1: {  	s23 =	simm.s32 $0x1B8B  }
0xa2: {  	_ =	swait.ge [sflag:s23], $0x1  }
0xa3: {  	[sflag:s23] =	ssyncset.done $0x0  }
0xa4: {  	s25 =	simm.s32 $0x1B8E;
	s24 =	sld [smem:$0x3FFE];
	[sflag:s23] =	ssyncadd.s32 $0xFFFFFFFF  }
0xa5: {  	s26 =	simm.s32 $execute0_lowered;
	[smem:$0x3FD2] =	sst s25  }
0xa6: {  	s4 =	sshll.u32 s26, $0x1;
	_ =	strace $0x80000046;
	[dreg:$0x1] =	wrdreg $0xFFFFFFFF  }
0xa7: {  	s28 =	simm.s32 $_size_execute0_lowered;
	s2 =	sadd.s32 s2, s4;
	[dreg:$0x0] =	wrdreg $0x0  }
0xa8: {  	s4 =	sshll.u32 s28, $0x1;
	[dreg:$0x2] =	wrdreg s2  }
0xa9: {  	[dreg:$0x3] =	wrdreg s4  }
0xaa: {  	[dreg:$0x4] =	wrdreg $0xC0  }
0xab: {  	_ =	task [dreg:s6], $0x5FFFF  }
0xac: {  	[dreg:$0x1] =	wrdreg $0xFFFFFFFF  }
0xad: {  	[dreg:$0x0] =	wrdreg $0x60  }
0xae: {  	[dreg:$0x2] =	wrdreg s24  }
0xaf: {  	[dreg:$0x3] =	wrdreg $0x54000  }
0xb0: {  	[dreg:$0x4] =	wrdreg $0x9  }
0xb1: {  	_ =	task.clear_ibuf [dreg:s6], $0x5FFFF;
	_ =	strace $0x90000046  }
0xb2: {  	s29 =	simm.s32 $0x9;
	_ =	strace $0x80000048  }
0xb3: {  	_ =	swait.ge [sflag:s29], $0x1  }
0xb4: {  	[sflag:s29] =	ssyncadd.s32 $0xFFFFFFFF  }
0xb5: {  	_ =	strace $0x90000048  }
0xb6: {  	_ =	sfence  }
0xb7: {  	s30 =	sld [smem:$0x0];
	_ =	sdelay $0x2  }
0xb8: {  	s31 =	sshll.u32 s1, $0xD;
	s1 =	sshrl.u32 s1, $0x2  }
0xb9: {  	s3 =	sand.u32 $0x4000, s31;
	s1 =	sadd.s32 s1, s30  }
0xba: {  	s0 =	sor.u32 s3, s0;
	s1 =	sshll.u32 s1, $0x11  }
0xbb: {  	s0 =	sor.u32 s1, s0  }
0xbc: {  	s0 =	sadd.s32 $0x8F2B, s0  }
0xbd: {  	[sflag:s0] =	ssyncadd.remote.s32 $0x1  }
0xbe: {  	_ =	sfence.sel $0xFFFF  }
0xbf: {  	[dreg:$0x0] =	wrdreg $0xFFFFFFFF;
	(pc) =	sbr.abs _section_cstart, $3  }
0xc0: {  	[dreg:$0x1] =	wrdreg $0xFFFFFFFF  }
0xc1: {  	_ =	task.clear_ibuf [dreg:s6], $0x2FFFF;
	_ =	strace $0x9FFFFFFF  }
0xc2: {  	(tm) =	ssettm $0x7FFFFFFF  }
0xc3: {  	_ =	shalt  }
tec
execute0_lowered:
.L_overlay_start_1:
0x0: {  	(tag) =	ssettag $0x1  }
0x1: {  	s0 =	srdreg.scid  }
0x2: {  	s1 =	rddreg [dreg:$0x0];
	s10 =	stileid.u32  }
0x3: {  	s2 =	rddreg [dreg:$0x1];
	s13 =	simm.s32 $0x80;
	s17 =	simm.s32 $0xC00  }
0x4: {  	s18 =	simm.s32 $0xC80;
	s19 =	simm.s32 $0xD00;
	s20 =	simm.s32 $0xD80  }
0x5: {  	s21 =	simm.s32 $0xE00;
	s22 =	simm.s32 $0xE80;
	s23 =	simm.s32 $0xF00  }
0x6: {  	s28 =	simm.s32 $0x1100;
	s29 =	simm.s32 $0x1180;
	s30 =	simm.s32 $0x1200  }
0x7: {  	s31 =	simm.s32 $0x1280;
	s14 =	simm.s32 $0x1;
	s6 =	smul.u32 $0x2800, s10  }
0x8: {  	s15 =	simm.s32 $0x0;
	s0 =	sand.u32 $0x1, s0;
	s9 =	smul.u32 $0x50000, s10  }
0x9: {  	s5 =	sadd.s32 $0x7E00, s1;
	s26 =	sshll.u32 s10, $0x6;
	s3 =	sshll.u32 s0, $0x4  }
0xa: {  	s7 =	smul.u32 $0x28000, s0;
	s0 =	ssub.s32 $0x2, s0;
	s11 =	sor.u32 $0x1C02, s26  }
0xb: {  	s26 =	simm.s32 $0x1080;
	s4 =	sor.u32 s10, s3;
	s3 =	simm.s32 $0x0  }
0xc: {  	s24 =	sshrl.u32 s0, $0x1;
	s25 =	sshrl.u32 s9, $0x2;
	s9 =	simm.s32 $0x2  }
0xd: {  	s10 =	simm.s32 $0x1400;
	s4 =	smul.u32 $0x280, s4;
	[smem:$0x7FF] =	sst s3  }
0xe: {  	s6 =	sadd.s32 s6, s7;
	s0 =	ssub.s32 s0, s24;
	s12 =	sadd.s32 s25, s2  }
0xf: {  	s24 =	simm.s32 $0xF80;
	s25 =	simm.s32 $0x1000;
	_ =	strace $0x80000047  }
0x10: {  	s8 =	sadd.s32 s4, s1;
	s4 =	sadd.s32 $0x7600, s1;
	s1 =	sadd.s32 s6, s1  }
0x11: {  	s12 =	sshrl.u32 s12, $0x3;
	s6 =	sadd.s32 $0x2600, s8;
	s7 =	sadd.s32 $0xA600, s1  }
0x12: {  	s8 =	smax.u32 s0, $0x1;
	s1 =	simm.s32 $0x1300;
	s0 =	simm.s32 $0x1380  }
.LBB2_1:
0x13: {  	[tilespmem:s3], [sflag:$0x2] =	stream.linear.gather [hbm4b:s6+s3], $0x1400, $0x38;
	[tilespmem:$0x19400] =	vst v63  }
0x14: {  	_ =	swait.ge [sflag:s9], $0x1400  }
0x15: {  	[sflag:s9] =	ssyncset.done $0x0  }
0x16: {  	[sflag:s9] =	ssyncadd.s32 $0xFFFFEC00  }
0x17: {  	[tilespmem:s10], [sflag:$0x2] =	stream.linear.gather [hbm4b:s4+s3], $0x4000, $0x38;
	[tilespmem:$0x19400] =	vst v63  }
0x18: {  	_ =	swait.ge [sflag:s9], $0x4000  }
0x19: {  	[sflag:s9] =	ssyncset.done $0x0  }
0x1a: {  	[sflag:s9] =	ssyncadd.s32 $0xFFFFC000  }
0x1b: {  	[spmem:s12], [sflag:s11] =	dma.local [hbm:s5], $0x2800  }
0x1c: {  	_ =	swait.ge [sflag:s9], $0x2800  }
0x1d: {  	[sflag:s9] =	ssyncset.done $0x0  }
0x1e: {  	[sflag:s9] =	ssyncadd.s32 $0xFFFFD800  }
0x1f: {  	[bflag:$0x0] =	sbarrier.arrive $0xFFFF  }
0x20: {  	[spmem:s2] =	stream.indirect.scatter.add.f32 [tilespmem:s10], [sflag:$0x1], $0x80, s3, s13, $0xb8;
	[tilespmem:$0x19400] =	vst v63  }
0x21: {  	_ = 	snop  }
0x22: {  	[spmem:s2] =	stream.indirect.scatter.add.f32 [tilespmem:s10], [sflag:$0x1], $0x80, s13, s13, $0xb8;
	[tilespmem:$0x19400] =	vst v63  }
0x23: {  	s16 =	simm.s32 $0x100  }
0x24: {  	[spmem:s2] =	stream.indirect.scatter.add.f32 [tilespmem:s10], [sflag:$0x1], $0x80, s16, s13, $0xb8;
	[tilespmem:$0x19400] =	vst v63  }
0x25: {  	s16 =	simm.s32 $0x180  }
0x26: {  	[spmem:s2] =	stream.indirect.scatter.add.f32 [tilespmem:s10], [sflag:$0x1], $0x80, s16, s13, $0xb8;
	[tilespmem:$0x19400] =	vst v63  }
0x27: {  	s16 =	simm.s32 $0x200  }
0x28: {  	[spmem:s2] =	stream.indirect.scatter.add.f32 [tilespmem:s10], [sflag:$0x1], $0x80, s16, s13, $0xb8;
	[tilespmem:$0x19400] =	vst v63  }
0x29: {  	s16 =	simm.s32 $0x280  }
0x2a: {  	[spmem:s2] =	stream.indirect.scatter.add.f32 [tilespmem:s10], [sflag:$0x1], $0x80, s16, s13, $0xb8;
	[tilespmem:$0x19400] =	vst v63  }
0x2b: {  	s16 =	simm.s32 $0x300  }
0x2c: {  	[spmem:s2] =	stream.indirect.scatter.add.f32 [tilespmem:s10], [sflag:$0x1], $0x80, s16, s13, $0xb8;
	[tilespmem:$0x19400] =	vst v63  }
0x2d: {  	s16 =	simm.s32 $0x380  }
0x2e: {  	[spmem:s2] =	stream.indirect.scatter.add.f32 [tilespmem:s10], [sflag:$0x1], $0x80, s16, s13, $0xb8;
	[tilespmem:$0x19400] =	vst v63  }
0x2f: {  	s16 =	simm.s32 $0x400  }
0x30: {  	[spmem:s2] =	stream.indirect.scatter.add.f32 [tilespmem:s10], [sflag:$0x1], $0x80, s16, s13, $0xb8;
	[tilespmem:$0x19400] =	vst v63  }
0x31: {  	s16 =	simm.s32 $0x480  }
0x32: {  	[spmem:s2] =	stream.indirect.scatter.add.f32 [tilespmem:s10], [sflag:$0x1], $0x80, s16, s13, $0xb8;
	[tilespmem:$0x19400] =	vst v63  }
0x33: {  	s16 =	simm.s32 $0x500  }
0x34: {  	[spmem:s2] =	stream.indirect.scatter.add.f32 [tilespmem:s10], [sflag:$0x1], $0x80, s16, s13, $0xb8;
	[tilespmem:$0x19400] =	vst v63  }
0x35: {  	s16 =	simm.s32 $0x580  }
0x36: {  	[spmem:s2] =	stream.indirect.scatter.add.f32 [tilespmem:s10], [sflag:$0x1], $0x80, s16, s13, $0xb8;
	[tilespmem:$0x19400] =	vst v63  }
0x37: {  	s16 =	simm.s32 $0x600  }
0x38: {  	[spmem:s2] =	stream.indirect.scatter.add.f32 [tilespmem:s10], [sflag:$0x1], $0x80, s16, s13, $0xb8;
	[tilespmem:$0x19400] =	vst v63  }
0x39: {  	s16 =	simm.s32 $0x680  }
0x3a: {  	[spmem:s2] =	stream.indirect.scatter.add.f32 [tilespmem:s10], [sflag:$0x1], $0x80, s16, s13, $0xb8;
	[tilespmem:$0x19400] =	vst v63  }
0x3b: {  	s16 =	simm.s32 $0x700  }
0x3c: {  	[spmem:s2] =	stream.indirect.scatter.add.f32 [tilespmem:s10], [sflag:$0x1], $0x80, s16, s13, $0xb8;
	[tilespmem:$0x19400] =	vst v63  }
0x3d: {  	s16 =	simm.s32 $0x780  }
0x3e: {  	[spmem:s2] =	stream.indirect.scatter.add.f32 [tilespmem:s10], [sflag:$0x1], $0x80, s16, s13, $0xb8;
	[tilespmem:$0x19400] =	vst v63  }
0x3f: {  	s16 =	simm.s32 $0x800  }
0x40: {  	[spmem:s2] =	stream.indirect.scatter.add.f32 [tilespmem:s10], [sflag:$0x1], $0x80, s16, s13, $0xb8;
	[tilespmem:$0x19400] =	vst v63  }
0x41: {  	s16 =	simm.s32 $0x880  }
0x42: {  	[spmem:s2] =	stream.indirect.scatter.add.f32 [tilespmem:s10], [sflag:$0x1], $0x80, s16, s13, $0xb8;
	[tilespmem:$0x19400] =	vst v63  }
0x43: {  	s16 =	simm.s32 $0x900  }
0x44: {  	[spmem:s2] =	stream.indirect.scatter.add.f32 [tilespmem:s10], [sflag:$0x1], $0x80, s16, s13, $0xb8;
	[tilespmem:$0x19400] =	vst v63  }
0x45: {  	s16 =	simm.s32 $0x980  }
0x46: {  	[spmem:s2] =	stream.indirect.scatter.add.f32 [tilespmem:s10], [sflag:$0x1], $0x80, s16, s13, $0xb8;
	[tilespmem:$0x19400] =	vst v63  }
0x47: {  	s16 =	simm.s32 $0xA00  }
0x48: {  	[spmem:s2] =	stream.indirect.scatter.add.f32 [tilespmem:s10], [sflag:$0x1], $0x80, s16, s13, $0xb8;
	[tilespmem:$0x19400] =	vst v63  }
0x49: {  	s16 =	simm.s32 $0xA80  }
0x4a: {  	[spmem:s2] =	stream.indirect.scatter.add.f32 [tilespmem:s10], [sflag:$0x1], $0x80, s16, s13, $0xb8;
	[tilespmem:$0x19400] =	vst v63  }
0x4b: {  	s16 =	simm.s32 $0xB00  }
0x4c: {  	[spmem:s2] =	stream.indirect.scatter.add.f32 [tilespmem:s10], [sflag:$0x1], $0x80, s16, s13, $0xb8;
	[tilespmem:$0x19400] =	vst v63  }
0x4d: {  	s16 =	simm.s32 $0xB80  }
0x4e: {  	[spmem:s2] =	stream.indirect.scatter.add.f32 [tilespmem:s10], [sflag:$0x1], $0x80, s16, s13, $0xb8;
	[tilespmem:$0x19400] =	vst v63  }
0x4f: {  	_ = 	snop  }
0x50: {  	[spmem:s2] =	stream.indirect.scatter.add.f32 [tilespmem:s10], [sflag:$0x1], $0x80, s17, s13, $0xb8;
	[tilespmem:$0x19400] =	vst v63  }
0x51: {  	_ = 	snop  }
0x52: {  	[spmem:s2] =	stream.indirect.scatter.add.f32 [tilespmem:s10], [sflag:$0x1], $0x80, s18, s13, $0xb8;
	[tilespmem:$0x19400] =	vst v63  }
0x53: {  	_ = 	snop  }
0x54: {  	[spmem:s2] =	stream.indirect.scatter.add.f32 [tilespmem:s10], [sflag:$0x1], $0x80, s19, s13, $0xb8;
	[tilespmem:$0x19400] =	vst v63  }
0x55: {  	_ = 	snop  }
0x56: {  	[spmem:s2] =	stream.indirect.scatter.add.f32 [tilespmem:s10], [sflag:$0x1], $0x80, s20, s13, $0xb8;
	[tilespmem:$0x19400] =	vst v63  }
0x57: {  	_ = 	snop  }
0x58: {  	[spmem:s2] =	stream.indirect.scatter.add.f32 [tilespmem:s10], [sflag:$0x1], $0x80, s21, s13, $0xb8;
	[tilespmem:$0x19400] =	vst v63  }
0x59: {  	_ = 	snop  }
0x5a: {  	[spmem:s2] =	stream.indirect.scatter.add.f32 [tilespmem:s10], [sflag:$0x1], $0x80, s22, s13, $0xb8;
	[tilespmem:$0x19400] =	vst v63  }
0x5b: {  	_ = 	snop  }
0x5c: {  	[spmem:s2] =	stream.indirect.scatter.add.f32 [tilespmem:s10], [sflag:$0x1], $0x80, s23, s13, $0xb8;
	[tilespmem:$0x19400] =	vst v63  }
0x5d: {  	_ = 	snop  }
0x5e: {  	[spmem:s2] =	stream.indirect.scatter.add.f32 [tilespmem:s10], [sflag:$0x1], $0x80, s24, s13, $0xb8;
	[tilespmem:$0x19400] =	vst v63  }
0x5f: {  	_ = 	snop  }
0x60: {  	[spmem:s2] =	stream.indirect.scatter.add.f32 [tilespmem:s10], [sflag:$0x1], $0x80, s25, s13, $0xb8;
	[tilespmem:$0x19400] =	vst v63  }
0x61: {  	_ = 	snop  }
0x62: {  	[spmem:s2] =	stream.indirect.scatter.add.f32 [tilespmem:s10], [sflag:$0x1], $0x80, s26, s13, $0xb8;
	[tilespmem:$0x19400] =	vst v63  }
0x63: {  	_ = 	snop  }
0x64: {  	[spmem:s2] =	stream.indirect.scatter.add.f32 [tilespmem:s10], [sflag:$0x1], $0x80, s28, s13, $0xb8;
	[tilespmem:$0x19400] =	vst v63  }
0x65: {  	_ = 	snop  }
0x66: {  	[spmem:s2] =	stream.indirect.scatter.add.f32 [tilespmem:s10], [sflag:$0x1], $0x80, s29, s13, $0xb8;
	[tilespmem:$0x19400] =	vst v63  }
0x67: {  	_ = 	snop  }
0x68: {  	[spmem:s2] =	stream.indirect.scatter.add.f32 [tilespmem:s10], [sflag:$0x1], $0x80, s30, s13, $0xb8;
	[tilespmem:$0x19400] =	vst v63  }
0x69: {  	_ = 	snop  }
0x6a: {  	[spmem:s2] =	stream.indirect.scatter.add.f32 [tilespmem:s10], [sflag:$0x1], $0x80, s31, s13, $0xb8;
	[tilespmem:$0x19400] =	vst v63  }
0x6b: {  	_ = 	snop  }
0x6c: {  	[spmem:s2] =	stream.indirect.scatter.add.f32 [tilespmem:s10], [sflag:$0x1], $0x80, s1, s13, $0xb8;
	[tilespmem:$0x19400] =	vst v63  }
0x6d: {  	_ = 	snop  }
0x6e: {  	[spmem:s2] =	stream.indirect.scatter.add.f32 [tilespmem:s10], [sflag:$0x1], $0x80, s0, s13, $0xb8;
	[tilespmem:$0x19400] =	vst v63  }
0x6f: {  	_ =	swait.ge [sflag:s14], $0x4000  }
0x70: {  	s16 =	simm.s32 $0x27;
	[sflag:s14] =	ssyncset.done $0x0  }
.LBB2_2:
0x71: {  	p0 =	sne.s32 s16, $0x1;
	s16 =	sadd.s32 $0xFFFFFFFF, s16;
	[sflag:s14] =	ssyncadd.s32 $0xFFFFC000  }
.Ltmp0:
0x72: {  	(pc) =	sbr.rel @p0 .LBB2_2-.Ltmp0, $3  }
0x73: {  	_ =	sdelay $0x1  }
0x74: {  	_ =	swait.ge [sflag:s14], $0x4000  }
0x75: {  	[sflag:s14] =	ssyncset.done $0x0  }
0x76: {  	s15 =	sadd.s32 $0x1, s15  }
0x77: {  	[sflag:s14] =	ssyncadd.s32 $0xFFFFC000;
	p0 =	sne.s32 s15, s8  }
.Ltmp1:
0x78: {  	[bflag:$0x0] =	sbarrier.arrive $0xFFFF;
	(pc) =	sbr.rel @p0 .LBB2_1-.Ltmp1, $4  }
0x79: {  	[hbm:s7], [sflag:s11] =	dma.local [spmem:s12], $0x2800  }
0x7a: {  	_ =	swait.ge [sflag:s9], $0x2800  }
0x7b: {  	[sflag:s9] =	ssyncset.done $0x0  }
0x7c: {  	[sflag:s9] =	ssyncadd.s32 $0xFFFFD800  }
0x7d: {  	_ =	sfence.sel $0x180000  }
0x7e: {  	[bflag:$0x0] =	sbarrier.arrive $0xFFFF  }
0x7f: {  	_ =	strace $0x90000047  }
0x80: {  	s0 =	stileid.u32;
	[bflag:$0x2] =	sbarrier.arrive $0xFFFF  }
0x81: {  	p0 =	sne.s32 s0, $0x0;
	s0 =	rddreg [dreg:$0x2]  }
0x82: {  	s0 =	sadd.s32 @!p0 $0x100000, s0  }
0x83: {  	[sflag:s0] =	ssyncadd.tile.s32 @!p0 $0x1;
	_ =	shalt  }
.Lfunc_end2:
_tile_overlayer_lowered:
.L_overlay_start_2:
0x84: {  	(tag) =	ssettag $0x2  }
0x85: {  	s0 =	rddreg [dreg:$0x0];
	s2 =	stileid.u32  }
0x86: {  	s1 =	rddreg [dreg:$0x1];
	p0 =	sne.s32 s2, $0x0  }
0x87: {  	s3 =	rddreg [dreg:$0x2];
	[bflag:$0x3] =	sbarrier.arrive $0xFFFF;
	s2 =	simm.s32 @!p0 $0x1C02  }
0x88: {  	[timem:s3], [sflag:s2] =	dma.local @!p0 [hbm:s0], s1  }
0x89: {  	s0 =	simm.s32 @!p0 $0x2  }
0x8a: {  	_ =	swait.ge @!p0 [sflag:s0], s1  }
0x8b: {  	s1 =	ssub.s32 @!p0 $0x0, s1;
	[sflag:s0] =	ssyncset.done @!p0 $0x0  }
0x8c: {  	[sflag:s0] =	ssyncadd.s32 @!p0 s1  }
0x8d: {  	[bflag:$0x3] =	sbarrier.arrive $0xFFFF  }
0x8e: {  	_ =	shalt  }

// kernel: kernel.14.cloned.1.call-start
scs
__scs_entry_jumppad:
0x0: {  	(pc) =	sbr.rel $0x88, $3  }
0x1: {  	(tag) =	ssettag $0x0;
	lr =	simm.s32 $0x1  }
0x2: {  	[smem:$0x3F9B] =	sst lr;
	_ =	strace $0xD0000000  }
0x3: {  	_ = 	snop  }
0x4: {  	_ = 	snop  }
0x5: {  	_ = 	snop  }
0x6: {  	_ = 	snop  }
0x7: {  	_ = 	snop  }
__scs_overlays_trampoline_lowered:
0x8: {  	[smem:$0x3FAA] =	sst s0  }
0x9: {  	[smem:$0x3FAB] =	sst s1  }
0xa: {  	[smem:$0x3FAC] =	sst s2  }
0xb: {  	[smem:$0x3FAD] =	sst s3  }
0xc: {  	[smem:$0x3FAE] =	sst s4  }
0xd: {  	[smem:$0x3FAF] =	sst s5  }
0xe: {  	[smem:$0x3FB0] =	sst s6  }
0xf: {  	[smem:$0x3FB1] =	sst s7  }
0x10: {  	[smem:$0x3FB2] =	sst s8  }
0x11: {  	[smem:$0x3FB3] =	sst s9;
	s0 =	simm.s32 @!p0 $0x0  }
0x12: {  	s1 =	sld [smem:$0x3F99];
	s0 =	simm.s32 @p0 $0x1  }
0x13: {  	[smem:$0x3FB4] =	sst s0;
	s0 =	simm.s32 @!p1 $0x0  }
0x14: {  	s2 =	sld [smem:$0x3F98];
	s0 =	simm.s32 @p1 $0x1  }
0x15: {  	[smem:$0x3FB5] =	sst s0;
	s0 =	simm.s32 @!p2 $0x0  }
0x16: {  	s3 =	sld [smem:$0x3FDB];
	s0 =	simm.s32 @p2 $0x1  }
0x17: {  	s4 =	simm.s32 $0x1BF5;
	[smem:$0x3FB7] =	sst s0  }
0x18: {  	s0 =	sld [smem:$0x3F9A];
	_ =	swait.ge [sflag:s4], $0x0  }
0x19: {  	s7 =	sld [smem:$0x3F9B]  }
0x1a: {  	s8 =	sadd.s32 $0xFFFFE003, lr  }
0x1b: {  	s9 =	sadd.s32 $0xFFFFFEF7, lr;
	s5 =	simm.s32 $0xFFFFFFFF;
	p2 =	slt.u32 s8, $0xFFFFF086  }
0x1c: {  	p1 =	slt.u32 s9, $0xF7A;
	s5 =	simm.s32 @!p2 $0x0  }
0x1d: {  	s5 =	simm.s32 @p1 $0x1;
	p0 =	seq.s32 s7, s2  }
0x1e: {  	s7 =	smul.u32 @!p0 $0xF7A, s2;
	p2 =	seq.s32 @!p0 s5, $0x0  }
0x1f: {  	s9 =	smul.u32 $0xF7A, s1;
	s8 =	simm.s32 @!p0 $0x1BF5;
	p2 =	por !p2, p0  }
0x20: {  	[sflag:s8] =	ssyncset.s32 @!p0 $0xFFFFF086;
	s6 =	sadd.s32 @!p0 s3, s7;
	s7 =	simm.s32 @!p0 $0x108  }
0x21: {  	s3 =	sadd.s32 s3, s9;
	s6 =	sadd.s32 @!p0 $0x88, s6;
	s7 =	simm.s32 @p2 $0x1082  }
0x22: {  	[simem:s7], [sflag:s8] =	dma.local @!p0 [hbm:s6], $0xF7A  }
0x23: {  	s9 =	sor.u32 $0xD0000000, s2;
	s6 =	simm.s32 $0x108;
	_ =	swait.ge @!p0 [sflag:s8], $0x0  }
0x24: {  	s3 =	sadd.s32 $0x88, s3;
	s6 =	simm.s32 @!p1 $0x1082;
	[sflag:s4] =	ssyncset.s32 $0xFFFFF086  }
0x25: {  	[simem:s6], [sflag:s4] =	dma.local [hbm:s3], $0xF7A  }
0x26: {  	[smem:$0x3F9B] =	sst s1;
	(tag) =	ssettag s2;
	_ =	strace s9  }
0x27: {  	s1 =	sld [smem:$0x3FAB]  }
0x28: {  	s2 =	sld [smem:$0x3FAC]  }
0x29: {  	s4 =	sld [smem:$0x3FAE]  }
0x2a: {  	p0 =	seq.s32 s5, $0x0;
	s5 =	sld [smem:$0x3FAF]  }
0x2b: {  	s6 =	sld [smem:$0x3FB0]  }
0x2c: {  	s7 =	sld [smem:$0x3FB1]  }
0x2d: {  	s3 =	simm.s32 $0x108;
	s8 =	sld [smem:$0x3FB2]  }
0x2e: {  	s3 =	simm.s32 @!p0 $0x1082;
	s9 =	sld [smem:$0x3FB3]  }
0x2f: {  	lr =	sadd.s32 s0, s3;
	s0 =	sld [smem:$0x3FAA]  }
0x30: {  	s3 =	sld [smem:$0x3FAD]  }
0x31: {  	[smem:$0x3FB6] =	sst s10  }
0x32: {  	s10 =	sld [smem:$0x3FB4];
	_ =	sdelay $0x3  }
0x33: {  	p0 =	seq.s32 s10, $0x1;
	s10 =	sld [smem:$0x3FB6];
	_ =	sdelay $0x3  }
0x34: {  	[smem:$0x3FB6] =	sst s10  }
0x35: {  	s10 =	sld [smem:$0x3FB5];
	_ =	sdelay $0x3  }
0x36: {  	p1 =	seq.s32 s10, $0x1;
	s10 =	sld [smem:$0x3FB6];
	_ =	sdelay $0x3  }
0x37: {  	[smem:$0x3FB6] =	sst s10  }
0x38: {  	s10 =	sld [smem:$0x3FB7]  }
0x39: {  	_ = 	snop;
	(pc) =	sbr.ind lr, $3  }
0x3a: {  	_ = 	snop  }
0x3b: {  	_ = 	snop  }
0x3c: {  	p2 =	seq.s32 s10, $0x1;
	s10 =	sld [smem:$0x3FB6]  }
0x3d: {  	_ =	shalt  }
0x3e: {  	_ =	shalt  }
0x3f: {  	_ =	shalt  }
0x40: {  	_ =	shalt  }
0x41: {  	_ =	shalt  }
0x42: {  	_ =	shalt  }
0x43: {  	_ =	shalt  }
0x44: {  	_ =	shalt  }
0x45: {  	_ =	shalt  }
0x46: {  	_ =	shalt  }
0x47: {  	_ =	shalt  }
0x48: {  	_ =	shalt  }
0x49: {  	_ =	shalt  }
0x4a: {  	_ =	shalt  }
0x4b: {  	_ =	shalt  }
0x4c: {  	_ =	shalt  }
0x4d: {  	_ =	shalt  }
0x4e: {  	_ =	shalt  }
0x4f: {  	_ =	shalt  }
0x50: {  	_ =	shalt  }
0x51: {  	_ =	shalt  }
0x52: {  	_ =	shalt  }
0x53: {  	_ =	shalt  }
0x54: {  	_ =	shalt  }
0x55: {  	_ =	shalt  }
0x56: {  	_ =	shalt  }
0x57: {  	_ =	shalt  }
0x58: {  	_ =	shalt  }
0x59: {  	_ =	shalt  }
0x5a: {  	_ =	shalt  }
0x5b: {  	_ =	shalt  }
0x5c: {  	_ =	shalt  }
0x5d: {  	_ =	shalt  }
0x5e: {  	_ =	shalt  }
0x5f: {  	_ =	shalt  }
0x60: {  	_ =	shalt  }
0x61: {  	_ =	shalt  }
0x62: {  	_ =	shalt  }
0x63: {  	_ =	shalt  }
0x64: {  	_ =	shalt  }
0x65: {  	_ =	shalt  }
0x66: {  	_ =	shalt  }
0x67: {  	_ =	shalt  }
0x68: {  	_ =	shalt  }
0x69: {  	_ =	shalt  }
0x6a: {  	_ =	shalt  }
0x6b: {  	_ =	shalt  }
0x6c: {  	_ =	shalt  }
0x6d: {  	_ =	shalt  }
0x6e: {  	_ =	shalt  }
0x6f: {  	_ =	shalt  }
0x70: {  	_ =	shalt  }
0x71: {  	_ =	shalt  }
0x72: {  	_ =	shalt  }
0x73: {  	_ =	shalt  }
0x74: {  	_ =	shalt  }
0x75: {  	_ =	shalt  }
0x76: {  	_ =	shalt  }
0x77: {  	_ =	shalt  }
0x78: {  	_ =	shalt  }
0x79: {  	_ =	shalt  }
0x7a: {  	_ =	shalt  }
0x7b: {  	_ =	shalt  }
0x7c: {  	_ =	shalt  }
0x7d: {  	_ =	shalt  }
0x7e: {  	_ =	shalt  }
0x7f: {  	_ =	shalt  }
0x80: {  	_ =	shalt  }
0x81: {  	_ =	shalt  }
0x82: {  	_ =	shalt  }
0x83: {  	_ =	shalt  }
0x84: {  	_ =	shalt  }
0x85: {  	_ =	shalt  }
0x86: {  	_ =	shalt  }
0x87: {  	_ =	shalt  }
.Lfunc_end0:
.L_simem_size_0:
called_computation.1_lowered:
.L_overlay_start_0:
0x88: {  	s2 =	sld [smem:$0x3FD9]  }
0x89: {  	s3 =	sld [smem:$0x3FFE];
	_ =	sdelay $0x1  }
0x8a: {  	s1 =	srdreg.scid  }
0x8b: {  	s0 =	sand.u32 $0x1, s1  }
0x8c: {  	s17 =	sshll.u32 s0, $0xA;
	s2 =	sadd.s32 s3, s2  }
0x8d: {  	s2 =	sadd.s32 s2, s17  }
0x8e: {  	[smem:$0x3FC2] =	sst s2  }
0x8f: {  	_ = 	snop  }
0x90: {  	s2 =	sld [smem:$0x3FD0];
	(tm) =	ssettm $0x1  }
0x91: {  	s18 =	sld [smem:$0x3FFB];
	_ =	sdelay $0x3  }
0x92: {  	_ =	strace s18  }
0x93: {  	s3 =	sld [smem:$0x3FFC];
	_ =	sdelay $0x3  }
0x94: {  	_ =	strace s3  }
0x95: {  	s3 =	sld [smem:$0x3FFD];
	_ =	sdelay $0x3  }
0x96: {  	_ =	strace s3  }
0x97: {  	_ =	strace $0x8FFFFFFF  }
0x98: {  	s19 =	sld [smem:$0x3FDB];
	_ =	sdelay $0x1  }
0x99: {  	s4 =	simm.s32 $_scs_section_size  }
0x9a: {  	s5 =	simm.s32 $_size__tile_overlayer_lowered;
	s6 =	simm.s32 $_tile_overlayer_lowered  }
0x9b: {  	s22 =	simm.s32 $0x1BFF;
	s21 =	sshll.u32 s6, $0x1;
	s3 =	sadd.s32 s4, s19  }
0x9c: {  	s7 =	simm.s32 $0x0;
	s20 =	sshll.u32 s5, $0x1;
	s5 =	sadd.s32 s21, s3  }
0x9d: {  	[timem:s7], [sflag:s22] =	dma.local [hbm:s5], s20  }
0x9e: {  	_ =	swait.ge [sflag:s22], s20  }
0x9f: {  	s4 =	ssub.s32 $0x0, s20;
	[sflag:s22] =	ssyncset.done $0x0  }
0xa0: {  	[sflag:s22] =	ssyncadd.s32 s4;
	_ =	sdelay $0x1  }
0xa1: {  	s23 =	simm.s32 $0x1B8B  }
0xa2: {  	_ =	swait.ge [sflag:s23], $0x1  }
0xa3: {  	[sflag:s23] =	ssyncset.done $0x0  }
0xa4: {  	s25 =	simm.s32 $0x1B8E;
	s24 =	sld [smem:$0x3FFE];
	[sflag:s23] =	ssyncadd.s32 $0xFFFFFFFF  }
0xa5: {  	s26 =	simm.s32 $execute0_lowered;
	[smem:$0x3FD2] =	sst s25  }
0xa6: {  	s5 =	sshll.u32 s26, $0x1;
	_ =	strace $0x80000049;
	[dreg:$0x1] =	wrdreg $0xFFFFFFFF  }
0xa7: {  	s28 =	simm.s32 $_size_execute0_lowered;
	s3 =	sadd.s32 s3, s5;
	[dreg:$0x0] =	wrdreg $0x0  }
0xa8: {  	s5 =	sshll.u32 s28, $0x1;
	[dreg:$0x2] =	wrdreg s3  }
0xa9: {  	[dreg:$0x3] =	wrdreg s5  }
0xaa: {  	[dreg:$0x4] =	wrdreg $0xC0  }
0xab: {  	_ =	task [dreg:s7], $0x5FFFF  }
0xac: {  	[dreg:$0x1] =	wrdreg $0xFFFFFFFF  }
0xad: {  	[dreg:$0x0] =	wrdreg $0x60  }
0xae: {  	[dreg:$0x2] =	wrdreg s2  }
0xaf: {  	[dreg:$0x3] =	wrdreg s24  }
0xb0: {  	[dreg:$0x4] =	wrdreg $0x90000  }
0xb1: {  	[dreg:$0x5] =	wrdreg $0x9  }
0xb2: {  	_ =	task.clear_ibuf [dreg:s7], $0x6FFFF;
	_ =	strace $0x90000049  }
0xb3: {  	s29 =	simm.s32 $0x9;
	_ =	strace $0x8000004B  }
0xb4: {  	_ =	swait.ge [sflag:s29], $0x1  }
0xb5: {  	[sflag:s29] =	ssyncadd.s32 $0xFFFFFFFF  }
0xb6: {  	_ =	strace $0x9000004B  }
0xb7: {  	_ =	sfence  }
0xb8: {  	s30 =	sld [smem:$0x0];
	_ =	sdelay $0x2  }
0xb9: {  	s31 =	sshll.u32 s1, $0xD;
	s1 =	sshrl.u32 s1, $0x2  }
0xba: {  	s3 =	sand.u32 $0x4000, s31;
	s1 =	sadd.s32 s1, s30  }
0xbb: {  	s0 =	sor.u32 s3, s0;
	s1 =	sshll.u32 s1, $0x11  }
0xbc: {  	s0 =	sor.u32 s1, s0  }
0xbd: {  	s0 =	sadd.s32 $0x8F2B, s0  }
0xbe: {  	[sflag:s0] =	ssyncadd.remote.s32 $0x1  }
0xbf: {  	_ =	sfence.sel $0xFFFF  }
0xc0: {  	[dreg:$0x0] =	wrdreg $0xFFFFFFFF;
	(pc) =	sbr.abs _section_cstart, $3  }
0xc1: {  	[dreg:$0x1] =	wrdreg $0xFFFFFFFF  }
0xc2: {  	_ =	task.clear_ibuf [dreg:s7], $0x2FFFF;
	_ =	strace $0x9FFFFFFF  }
0xc3: {  	(tm) =	ssettm $0x7FFFFFFF  }
tec
execute0_lowered:
.L_overlay_start_1:
0x0: {  	(tag) =	ssettag $0x1  }
0x1: {  	s1 =	rddreg [dreg:$0x0]  }
0x2: {  	s6 =	rddreg [dreg:$0x1]  }
0x3: {  	s0 =	srdreg.scid;
	s3 =	rddreg [dreg:$0x2]  }
0x4: {  	s4 =	simm.s32 $0x0;
	s5 =	sand.u32 $0x1, s0;
	s0 =	stileid.u32  }
0x5: {  	s14 =	simm.s32 $0x80;
	s15 =	simm.s32 $0x5000;
	s8 =	smul.u32 $0x500, s0  }
0x6: {  	s16 =	simm.s32 $0x1;
	s17 =	simm.s32 $0x0;
	s9 =	smul.u32 $0x2800, s0  }
0x7: {  	[smem:$0x7FF] =	sst s4;
	s2 =	sshll.u32 s5, $0x4;
	s10 =	smul.u32 $0x28000, s5  }
0x8: {  	s11 =	ssub.s32 $0x2, s5;
	s12 =	smul.u32 $0x50000, s0;
	s5 =	sadd.s32 $0x7E00, s6  }
0x9: {  	s31 =	sshll.u32 s0, $0x6;
	s2 =	sor.u32 s0, s2;
	s29 =	sshrl.u32 s11, $0x1  }
0xa: {  	s7 =	smul.u32 $0x500, s2;
	s2 =	rddreg [dreg:$0x3];
	_ =	strace $0x8000004A  }
0xb: {  	s8 =	sadd.s32 s8, s6;
	s9 =	sadd.s32 s9, s10;
	s10 =	ssub.s32 s11, s29  }
0xc: {  	s30 =	sshrl.u32 s12, $0x2;
	s11 =	simm.s32 $0x2800;
	s12 =	sor.u32 $0x1C02, s31  }
0xd: {  	s9 =	sadd.s32 s9, s6;
	s13 =	sadd.s32 s30, s3;
	s7 =	sadd.s32 s7, s6  }
0xe: {  	s13 =	sshrl.u32 s13, $0x3;
	s6 =	sadd.s32 $0x5A600, s7;
	s7 =	sadd.s32 $0x2600, s8  }
0xf: {  	s8 =	sadd.s32 $0xA600, s9;
	s9 =	smax.u32 s10, $0x1;
	s10 =	simm.s32 $0x2  }
.LBB2_1:
0x10: {  	[tilespmem:s4], [sflag:$0x2] =	stream.linear.gather [hbm4b:s6+s4], $0x2800, $0x38;
	[tilespmem:$0x1D000] =	vst v63  }
0x11: {  	_ =	swait.ge [sflag:s10], $0x2800  }
0x12: {  	[sflag:s10] =	ssyncset.done $0x0  }
0x13: {  	[sflag:s10] =	ssyncadd.s32 $0xFFFFD800  }
0x14: {  	[tilespmem:s11], [sflag:$0x2] =	stream.linear.gather [hbm4b:s7+s4], $0x2800, $0x38;
	[tilespmem:$0x1D000] =	vst v63  }
0x15: {  	_ =	swait.ge [sflag:s10], $0x2800  }
0x16: {  	[sflag:s10] =	ssyncset.done $0x0  }
0x17: {  	[sflag:s10] =	ssyncadd.s32 $0xFFFFD800  }
0x18: {  	[spmem:s13], [sflag:s12] =	dma.local [hbm:s5], $0x2800  }
0x19: {  	_ =	swait.ge [sflag:s10], $0x2800  }
0x1a: {  	[sflag:s10] =	ssyncset.done $0x0  }
0x1b: {  	[sflag:s10] =	ssyncadd.s32 $0xFFFFD800  }
0x1c: {  	s18 =	simm.s32 $0x0;
	[bflag:$0x0] =	sbarrier.arrive $0xFFFF  }
0x1d: {  	[tilespmem:s15], [sflag:$0x1] =	stream.indirect.gather [hbm4b:s1+s14], $0x80, s18, s14, $0xb8;
	[tilespmem:$0x1D000] =	vst v63  }
0x1e: {  	_ =	swait.ge [sflag:s16], $0x4000  }
0x1f: {  	[sflag:s16] =	ssyncset.done $0x0  }
0x20: {  	s31 =	simm.s32 $0x2800;
	[sflag:s16] =	ssyncadd.s32 $0xFFFFC000  }
0x21: {  	[spmem:s3] =	stream.indirect.scatter.add.f32 [tilespmem:s15], [sflag:$0x2], $0x80, s31, s14, $0xb8;
	[tilespmem:$0x1D000] =	vst v63  }
0x22: {  	_ =	swait.ge [sflag:s10], $0x4000  }
0x23: {  	s19 =	simm.s32 $0x400;
	s18 =	simm.s32 $0x200;
	[sflag:s10] =	ssyncset.done $0x0  }
.LBB2_2:
0x24: {  	s20 =	sshra.s32 s18, $0x2  }
0x25: {  	[sflag:s10] =	ssyncadd.s32 $0xFFFFC000;
	s18 =	smov.u32 s19;
	s21 =	sadd.s32 $0x200, s19  }
0x26: {  	[tilespmem:s15], [sflag:$0x1] =	stream.indirect.gather [hbm4b:s1+s14], $0x80, s20, s14, $0xb8;
	[tilespmem:$0x1D000] =	vst v63  }
0x27: {  	p0 =	sne.s32 s19, $0x9E00;
	_ =	swait.ge [sflag:s16], $0x4000  }
.Ltmp0:
0x28: {  	[sflag:s16] =	ssyncset.done $0x0;
	(pc) =	sbr.rel @p0 .LBB2_2-.Ltmp0, $4  }
0x29: {  	s19 =	sadd.s32 $0x2800, s20;
	[sflag:s16] =	ssyncadd.s32 $0xFFFFC000  }
0x2a: {  	[spmem:s3] =	stream.indirect.scatter.add.f32 [tilespmem:s15], [sflag:$0x2], $0x80, s19, s14, $0xb8;
	[tilespmem:$0x1D000] =	vst v63  }
0x2b: {  	_ =	swait.ge [sflag:s10], $0x4000  }
0x2c: {  	s19 =	smov.u32 s21;
	[sflag:s10] =	ssyncset.done $0x0  }
0x2d: {  	s18 =	sshra.s32 s18, $0x2;
	[sflag:s10] =	ssyncadd.s32 $0xFFFFC000  }
0x2e: {  	[tilespmem:s15], [sflag:$0x1] =	stream.indirect.gather [hbm4b:s1+s14], $0x80, s18, s14, $0xb8;
	[tilespmem:$0x1D000] =	vst v63  }
0x2f: {  	_ =	swait.ge [sflag:s16], $0x4000  }
0x30: {  	[sflag:s16] =	ssyncset.done $0x0  }
0x31: {  	s18 =	sadd.s32 $0x2800, s18;
	[sflag:s16] =	ssyncadd.s32 $0xFFFFC000  }
0x32: {  	[spmem:s3] =	stream.indirect.scatter.add.f32 [tilespmem:s15], [sflag:$0x2], $0x80, s18, s14, $0xb8;
	[tilespmem:$0x1D000] =	vst v63  }
0x33: {  	_ =	swait.ge [sflag:s10], $0x4000  }
0x34: {  	s17 =	sadd.s32 $0x1, s17;
	[sflag:s10] =	ssyncset.done $0x0  }
0x35: {  	p0 =	sne.s32 s17, s9;
	[sflag:s10] =	ssyncadd.s32 $0xFFFFC000  }
.Ltmp1:
0x36: {  	[bflag:$0x0] =	sbarrier.arrive $0xFFFF;
	(pc) =	sbr.rel @p0 .LBB2_1-.Ltmp1, $4  }
0x37: {  	[hbm:s8], [sflag:s12] =	dma.local [spmem:s13], $0x2800  }
0x38: {  	_ =	swait.ge [sflag:s10], $0x2800  }
0x39: {  	[sflag:s10] =	ssyncset.done $0x0  }
0x3a: {  	[sflag:s10] =	ssyncadd.s32 $0xFFFFD800  }
0x3b: {  	_ =	sfence.sel $0x180000  }
0x3c: {  	[bflag:$0x0] =	sbarrier.arrive $0xFFFF  }
0x3d: {  	p0 =	sne.s32 s0, $0x0;
	_ =	strace $0x9000004A  }
0x3e: {  	s0 =	sadd.s32 @!p0 $0x100000, s2;
	[bflag:$0x2] =	sbarrier.arrive $0xFFFF  }
0x3f: {  	[sflag:s0] =	ssyncadd.tile.s32 @!p0 $0x1;
	_ =	shalt  }
.Lfunc_end2:
_tile_overlayer_lowered:
.L_overlay_start_2:
0x40: {  	(tag) =	ssettag $0x2  }
0x41: {  	s0 =	rddreg [dreg:$0x0];
	s2 =	stileid.u32  }
0x42: {  	s1 =	rddreg [dreg:$0x1];
	p0 =	sne.s32 s2, $0x0  }
0x43: {  	s3 =	rddreg [dreg:$0x2];
	[bflag:$0x3] =	sbarrier.arrive $0xFFFF;
	s2 =	simm.s32 @!p0 $0x1C02  }
0x44: {  	[timem:s3], [sflag:s2] =	dma.local @!p0 [hbm:s0], s1  }
0x45: {  	s0 =	simm.s32 @!p0 $0x2  }
0x46: {  	_ =	swait.ge @!p0 [sflag:s0], s1  }
0x47: {  	s1 =	ssub.s32 @!p0 $0x0, s1;
	[sflag:s0] =	ssyncset.done @!p0 $0x0  }
0x48: {  	[sflag:s0] =	ssyncadd.s32 @!p0 s1  }
0x49: {  	[bflag:$0x3] =	sbarrier.arrive $0xFFFF  }
0x4a: {  	_ =	shalt  }

// kernel: kernel.17.cloned.1.call-start
scs
__scs_entry_jumppad:
0x0: {  	(pc) =	sbr.rel $0x88, $3  }
0x1: {  	(tag) =	ssettag $0x0;
	lr =	simm.s32 $0x1  }
0x2: {  	[smem:$0x3F9B] =	sst lr;
	_ =	strace $0xD0000000  }
0x3: {  	_ = 	snop  }
0x4: {  	_ = 	snop  }
0x5: {  	_ = 	snop  }
0x6: {  	_ = 	snop  }
0x7: {  	_ = 	snop  }
__scs_overlays_trampoline_lowered:
0x8: {  	[smem:$0x3FAA] =	sst s0  }
0x9: {  	[smem:$0x3FAB] =	sst s1  }
0xa: {  	[smem:$0x3FAC] =	sst s2  }
0xb: {  	[smem:$0x3FAD] =	sst s3  }
0xc: {  	[smem:$0x3FAE] =	sst s4  }
0xd: {  	[smem:$0x3FAF] =	sst s5  }
0xe: {  	[smem:$0x3FB0] =	sst s6  }
0xf: {  	[smem:$0x3FB1] =	sst s7  }
0x10: {  	[smem:$0x3FB2] =	sst s8  }
0x11: {  	[smem:$0x3FB3] =	sst s9;
	s0 =	simm.s32 @!p0 $0x0  }
0x12: {  	s1 =	sld [smem:$0x3F99];
	s0 =	simm.s32 @p0 $0x1  }
0x13: {  	[smem:$0x3FB4] =	sst s0;
	s0 =	simm.s32 @!p1 $0x0  }
0x14: {  	s2 =	sld [smem:$0x3F98];
	s0 =	simm.s32 @p1 $0x1  }
0x15: {  	[smem:$0x3FB5] =	sst s0;
	s0 =	simm.s32 @!p2 $0x0  }
0x16: {  	s3 =	sld [smem:$0x3FDB];
	s0 =	simm.s32 @p2 $0x1  }
0x17: {  	s4 =	simm.s32 $0x1BF5;
	[smem:$0x3FB7] =	sst s0  }
0x18: {  	s0 =	sld [smem:$0x3F9A];
	_ =	swait.ge [sflag:s4], $0x0  }
0x19: {  	s7 =	sld [smem:$0x3F9B]  }
0x1a: {  	s8 =	sadd.s32 $0xFFFFE003, lr  }
0x1b: {  	s9 =	sadd.s32 $0xFFFFFEF7, lr;
	s5 =	simm.s32 $0xFFFFFFFF;
	p2 =	slt.u32 s8, $0xFFFFF086  }
0x1c: {  	p1 =	slt.u32 s9, $0xF7A;
	s5 =	simm.s32 @!p2 $0x0  }
0x1d: {  	s5 =	simm.s32 @p1 $0x1;
	p0 =	seq.s32 s7, s2  }
0x1e: {  	s7 =	smul.u32 @!p0 $0xF7A, s2;
	p2 =	seq.s32 @!p0 s5, $0x0  }
0x1f: {  	s9 =	smul.u32 $0xF7A, s1;
	s8 =	simm.s32 @!p0 $0x1BF5;
	p2 =	por !p2, p0  }
0x20: {  	[sflag:s8] =	ssyncset.s32 @!p0 $0xFFFFF086;
	s6 =	sadd.s32 @!p0 s3, s7;
	s7 =	simm.s32 @!p0 $0x108  }
0x21: {  	s3 =	sadd.s32 s3, s9;
	s6 =	sadd.s32 @!p0 $0x88, s6;
	s7 =	simm.s32 @p2 $0x1082  }
0x22: {  	[simem:s7], [sflag:s8] =	dma.local @!p0 [hbm:s6], $0xF7A  }
0x23: {  	s9 =	sor.u32 $0xD0000000, s2;
	s6 =	simm.s32 $0x108;
	_ =	swait.ge @!p0 [sflag:s8], $0x0  }
0x24: {  	s3 =	sadd.s32 $0x88, s3;
	s6 =	simm.s32 @!p1 $0x1082;
	[sflag:s4] =	ssyncset.s32 $0xFFFFF086  }
0x25: {  	[simem:s6], [sflag:s4] =	dma.local [hbm:s3], $0xF7A  }
0x26: {  	[smem:$0x3F9B] =	sst s1;
	(tag) =	ssettag s2;
	_ =	strace s9  }
0x27: {  	s1 =	sld [smem:$0x3FAB]  }
0x28: {  	s2 =	sld [smem:$0x3FAC]  }
0x29: {  	s4 =	sld [smem:$0x3FAE]  }
0x2a: {  	p0 =	seq.s32 s5, $0x0;
	s5 =	sld [smem:$0x3FAF]  }
0x2b: {  	s6 =	sld [smem:$0x3FB0]  }
0x2c: {  	s7 =	sld [smem:$0x3FB1]  }
0x2d: {  	s3 =	simm.s32 $0x108;
	s8 =	sld [smem:$0x3FB2]  }
0x2e: {  	s3 =	simm.s32 @!p0 $0x1082;
	s9 =	sld [smem:$0x3FB3]  }
0x2f: {  	lr =	sadd.s32 s0, s3;
	s0 =	sld [smem:$0x3FAA]  }
0x30: {  	s3 =	sld [smem:$0x3FAD]  }
0x31: {  	[smem:$0x3FB6] =	sst s10  }
0x32: {  	s10 =	sld [smem:$0x3FB4];
	_ =	sdelay $0x3  }
0x33: {  	p0 =	seq.s32 s10, $0x1;
	s10 =	sld [smem:$0x3FB6];
	_ =	sdelay $0x3  }
0x34: {  	[smem:$0x3FB6] =	sst s10  }
0x35: {  	s10 =	sld [smem:$0x3FB5];
	_ =	sdelay $0x3  }
0x36: {  	p1 =	seq.s32 s10, $0x1;
	s10 =	sld [smem:$0x3FB6];
	_ =	sdelay $0x3  }
0x37: {  	[smem:$0x3FB6] =	sst s10  }
0x38: {  	s10 =	sld [smem:$0x3FB7]  }
0x39: {  	_ = 	snop;
	(pc) =	sbr.ind lr, $3  }
0x3a: {  	_ = 	snop  }
0x3b: {  	_ = 	snop  }
0x3c: {  	p2 =	seq.s32 s10, $0x1;
	s10 =	sld [smem:$0x3FB6]  }
0x3d: {  	_ =	shalt  }
0x3e: {  	_ =	shalt  }
0x3f: {  	_ =	shalt  }
0x40: {  	_ =	shalt  }
0x41: {  	_ =	shalt  }
0x42: {  	_ =	shalt  }
0x43: {  	_ =	shalt  }
0x44: {  	_ =	shalt  }
0x45: {  	_ =	shalt  }
0x46: {  	_ =	shalt  }
0x47: {  	_ =	shalt  }
0x48: {  	_ =	shalt  }
0x49: {  	_ =	shalt  }
0x4a: {  	_ =	shalt  }
0x4b: {  	_ =	shalt  }
0x4c: {  	_ =	shalt  }
0x4d: {  	_ =	shalt  }
0x4e: {  	_ =	shalt  }
0x4f: {  	_ =	shalt  }
0x50: {  	_ =	shalt  }
0x51: {  	_ =	shalt  }
0x52: {  	_ =	shalt  }
0x53: {  	_ =	shalt  }
0x54: {  	_ =	shalt  }
0x55: {  	_ =	shalt  }
0x56: {  	_ =	shalt  }
0x57: {  	_ =	shalt  }
0x58: {  	_ =	shalt  }
0x59: {  	_ =	shalt  }
0x5a: {  	_ =	shalt  }
0x5b: {  	_ =	shalt  }
0x5c: {  	_ =	shalt  }
0x5d: {  	_ =	shalt  }
0x5e: {  	_ =	shalt  }
0x5f: {  	_ =	shalt  }
0x60: {  	_ =	shalt  }
0x61: {  	_ =	shalt  }
0x62: {  	_ =	shalt  }
0x63: {  	_ =	shalt  }
0x64: {  	_ =	shalt  }
0x65: {  	_ =	shalt  }
0x66: {  	_ =	shalt  }
0x67: {  	_ =	shalt  }
0x68: {  	_ =	shalt  }
0x69: {  	_ =	shalt  }
0x6a: {  	_ =	shalt  }
0x6b: {  	_ =	shalt  }
0x6c: {  	_ =	shalt  }
0x6d: {  	_ =	shalt  }
0x6e: {  	_ =	shalt  }
0x6f: {  	_ =	shalt  }
0x70: {  	_ =	shalt  }
0x71: {  	_ =	shalt  }
0x72: {  	_ =	shalt  }
0x73: {  	_ =	shalt  }
0x74: {  	_ =	shalt  }
0x75: {  	_ =	shalt  }
0x76: {  	_ =	shalt  }
0x77: {  	_ =	shalt  }
0x78: {  	_ =	shalt  }
0x79: {  	_ =	shalt  }
0x7a: {  	_ =	shalt  }
0x7b: {  	_ =	shalt  }
0x7c: {  	_ =	shalt  }
0x7d: {  	_ =	shalt  }
0x7e: {  	_ =	shalt  }
0x7f: {  	_ =	shalt  }
0x80: {  	_ =	shalt  }
0x81: {  	_ =	shalt  }
0x82: {  	_ =	shalt  }
0x83: {  	_ =	shalt  }
0x84: {  	_ =	shalt  }
0x85: {  	_ =	shalt  }
0x86: {  	_ =	shalt  }
0x87: {  	_ =	shalt  }
.Lfunc_end0:
.L_simem_size_0:
called_computation.2_lowered:
.L_overlay_start_0:
0x88: {  	s2 =	sld [smem:$0x3FD9]  }
0x89: {  	s3 =	sld [smem:$0x3FFE];
	_ =	sdelay $0x1  }
0x8a: {  	s1 =	srdreg.scid  }
0x8b: {  	s0 =	sand.u32 $0x1, s1  }
0x8c: {  	s17 =	sshll.u32 s0, $0xA;
	s2 =	sadd.s32 s3, s2  }
0x8d: {  	s2 =	sadd.s32 s2, s17  }
0x8e: {  	[smem:$0x3FC2] =	sst s2  }
0x8f: {  	_ = 	snop  }
0x90: {  	s2 =	sld [smem:$0x3FD0];
	(tm) =	ssettm $0x1  }
0x91: {  	s18 =	sld [smem:$0x3FFB];
	_ =	sdelay $0x3  }
0x92: {  	_ =	strace s18  }
0x93: {  	s3 =	sld [smem:$0x3FFC];
	_ =	sdelay $0x3  }
0x94: {  	_ =	strace s3  }
0x95: {  	s3 =	sld [smem:$0x3FFD];
	_ =	sdelay $0x3  }
0x96: {  	_ =	strace s3  }
0x97: {  	_ =	strace $0x8FFFFFFF  }
0x98: {  	s19 =	sld [smem:$0x3FDB];
	_ =	sdelay $0x1  }
0x99: {  	s4 =	simm.s32 $_scs_section_size  }
0x9a: {  	s5 =	simm.s32 $_size__tile_overlayer_lowered;
	s6 =	simm.s32 $_tile_overlayer_lowered  }
0x9b: {  	s22 =	simm.s32 $0x1BFF;
	s21 =	sshll.u32 s6, $0x1;
	s3 =	sadd.s32 s4, s19  }
0x9c: {  	s7 =	simm.s32 $0x0;
	s20 =	sshll.u32 s5, $0x1;
	s5 =	sadd.s32 s21, s3  }
0x9d: {  	[timem:s7], [sflag:s22] =	dma.local [hbm:s5], s20  }
0x9e: {  	_ =	swait.ge [sflag:s22], s20  }
0x9f: {  	s4 =	ssub.s32 $0x0, s20;
	[sflag:s22] =	ssyncset.done $0x0  }
0xa0: {  	[sflag:s22] =	ssyncadd.s32 s4;
	_ =	sdelay $0x1  }
0xa1: {  	s23 =	simm.s32 $0x1B8B  }
0xa2: {  	_ =	swait.ge [sflag:s23], $0x1  }
0xa3: {  	[sflag:s23] =	ssyncset.done $0x0  }
0xa4: {  	s25 =	simm.s32 $0x1B8E;
	s24 =	sld [smem:$0x3FFE];
	[sflag:s23] =	ssyncadd.s32 $0xFFFFFFFF  }
0xa5: {  	s26 =	simm.s32 $execute0_lowered;
	[smem:$0x3FD2] =	sst s25  }
0xa6: {  	s5 =	sshll.u32 s26, $0x1;
	_ =	strace $0x8000004C;
	[dreg:$0x1] =	wrdreg $0xFFFFFFFF  }
0xa7: {  	s28 =	simm.s32 $_size_execute0_lowered;
	s3 =	sadd.s32 s3, s5;
	[dreg:$0x0] =	wrdreg $0x0  }
0xa8: {  	s5 =	sshll.u32 s28, $0x1;
	[dreg:$0x2] =	wrdreg s3  }
0xa9: {  	[dreg:$0x3] =	wrdreg s5  }
0xaa: {  	[dreg:$0x4] =	wrdreg $0xC0  }
0xab: {  	_ =	task [dreg:s7], $0x5FFFF  }
0xac: {  	[dreg:$0x1] =	wrdreg $0xFFFFFFFF  }
0xad: {  	[dreg:$0x0] =	wrdreg $0x60  }
0xae: {  	[dreg:$0x2] =	wrdreg s2  }
0xaf: {  	[dreg:$0x3] =	wrdreg s24  }
0xb0: {  	[dreg:$0x4] =	wrdreg $0x90000  }
0xb1: {  	[dreg:$0x5] =	wrdreg $0x9  }
0xb2: {  	_ =	task.clear_ibuf [dreg:s7], $0x6FFFF;
	_ =	strace $0x9000004C  }
0xb3: {  	s29 =	simm.s32 $0x9;
	_ =	strace $0x8000004E  }
0xb4: {  	_ =	swait.ge [sflag:s29], $0x1  }
0xb5: {  	[sflag:s29] =	ssyncadd.s32 $0xFFFFFFFF  }
0xb6: {  	_ =	strace $0x9000004E  }
0xb7: {  	_ =	sfence  }
0xb8: {  	s30 =	sld [smem:$0x0];
	_ =	sdelay $0x2  }
0xb9: {  	s31 =	sshll.u32 s1, $0xD;
	s1 =	sshrl.u32 s1, $0x2  }
0xba: {  	s3 =	sand.u32 $0x4000, s31;
	s1 =	sadd.s32 s1, s30  }
0xbb: {  	s0 =	sor.u32 s3, s0;
	s1 =	sshll.u32 s1, $0x11  }
0xbc: {  	s0 =	sor.u32 s1, s0  }
0xbd: {  	s0 =	sadd.s32 $0x8F2B, s0  }
0xbe: {  	[sflag:s0] =	ssyncadd.remote.s32 $0x1  }
0xbf: {  	_ =	sfence.sel $0xFFFF  }
0xc0: {  	[dreg:$0x0] =	wrdreg $0xFFFFFFFF;
	(pc) =	sbr.abs _section_cstart, $3  }
0xc1: {  	[dreg:$0x1] =	wrdreg $0xFFFFFFFF  }
0xc2: {  	_ =	task.clear_ibuf [dreg:s7], $0x2FFFF;
	_ =	strace $0x9FFFFFFF  }
0xc3: {  	(tm) =	ssettm $0x7FFFFFFF  }
tec
execute0_lowered:
.L_overlay_start_1:
0x0: {  	(tag) =	ssettag $0x1  }
0x1: {  	s1 =	rddreg [dreg:$0x0]  }
0x2: {  	s6 =	rddreg [dreg:$0x1]  }
0x3: {  	s0 =	srdreg.scid;
	s3 =	rddreg [dreg:$0x2]  }
0x4: {  	s4 =	simm.s32 $0x0;
	s5 =	sand.u32 $0x1, s0;
	s0 =	stileid.u32  }
0x5: {  	s14 =	simm.s32 $0x80;
	s15 =	simm.s32 $0x5000;
	s8 =	smul.u32 $0x500, s0  }
0x6: {  	s16 =	simm.s32 $0x1;
	s17 =	simm.s32 $0x0;
	s9 =	smul.u32 $0x2800, s0  }
0x7: {  	[smem:$0x7FF] =	sst s4;
	s2 =	sshll.u32 s5, $0x4;
	s10 =	smul.u32 $0x28000, s5  }
0x8: {  	s11 =	ssub.s32 $0x2, s5;
	s12 =	smul.u32 $0x50000, s0;
	s5 =	sadd.s32 $0x7E00, s6  }
0x9: {  	s31 =	sshll.u32 s0, $0x6;
	s2 =	sor.u32 s0, s2;
	s29 =	sshrl.u32 s11, $0x1  }
0xa: {  	s7 =	smul.u32 $0x500, s2;
	s2 =	rddreg [dreg:$0x3];
	_ =	strace $0x8000004D  }
0xb: {  	s8 =	sadd.s32 s8, s6;
	s9 =	sadd.s32 s9, s10;
	s10 =	ssub.s32 s11, s29  }
0xc: {  	s30 =	sshrl.u32 s12, $0x2;
	s11 =	simm.s32 $0x2800;
	s12 =	sor.u32 $0x1C02, s31  }
0xd: {  	s9 =	sadd.s32 s9, s6;
	s13 =	sadd.s32 s30, s3;
	s7 =	sadd.s32 s7, s6  }
0xe: {  	s13 =	sshrl.u32 s13, $0x3;
	s6 =	sadd.s32 $0x5A600, s7;
	s7 =	sadd.s32 $0x2600, s8  }
0xf: {  	s8 =	sadd.s32 $0xA600, s9;
	s9 =	smax.u32 s10, $0x1;
	s10 =	simm.s32 $0x2  }
.LBB2_1:
0x10: {  	[tilespmem:s4], [sflag:$0x2] =	stream.linear.gather [hbm4b:s6+s4], $0x2800, $0x38;
	[tilespmem:$0x1D000] =	vst v63  }
0x11: {  	_ =	swait.ge [sflag:s10], $0x2800  }
0x12: {  	[sflag:s10] =	ssyncset.done $0x0  }
0x13: {  	[sflag:s10] =	ssyncadd.s32 $0xFFFFD800  }
0x14: {  	[tilespmem:s11], [sflag:$0x2] =	stream.linear.gather [hbm4b:s7+s4], $0x2800, $0x38;
	[tilespmem:$0x1D000] =	vst v63  }
0x15: {  	_ =	swait.ge [sflag:s10], $0x2800  }
0x16: {  	[sflag:s10] =	ssyncset.done $0x0  }
0x17: {  	[sflag:s10] =	ssyncadd.s32 $0xFFFFD800  }
0x18: {  	[spmem:s13], [sflag:s12] =	dma.local [hbm:s5], $0x2800  }
0x19: {  	_ =	swait.ge [sflag:s10], $0x2800  }
0x1a: {  	[sflag:s10] =	ssyncset.done $0x0  }
0x1b: {  	[sflag:s10] =	ssyncadd.s32 $0xFFFFD800  }
0x1c: {  	s18 =	simm.s32 $0x0;
	[bflag:$0x0] =	sbarrier.arrive $0xFFFF  }
0x1d: {  	[tilespmem:s15], [sflag:$0x1] =	stream.indirect.gather [hbm4b:s1+s14], $0x80, s18, s14, $0xb8;
	[tilespmem:$0x1D000] =	vst v63  }
0x1e: {  	_ =	swait.ge [sflag:s16], $0x4000  }
0x1f: {  	[sflag:s16] =	ssyncset.done $0x0  }
0x20: {  	s31 =	simm.s32 $0x2800;
	[sflag:s16] =	ssyncadd.s32 $0xFFFFC000  }
0x21: {  	[spmem:s3] =	stream.indirect.scatter.add.f32 [tilespmem:s15], [sflag:$0x2], $0x80, s31, s14, $0xb8;
	[tilespmem:$0x1D000] =	vst v63  }
0x22: {  	_ =	swait.ge [sflag:s10], $0x4000  }
0x23: {  	s19 =	simm.s32 $0x400;
	s18 =	simm.s32 $0x200;
	[sflag:s10] =	ssyncset.done $0x0  }
.LBB2_2:
0x24: {  	s20 =	sshra.s32 s18, $0x2  }
0x25: {  	[sflag:s10] =	ssyncadd.s32 $0xFFFFC000;
	s18 =	smov.u32 s19;
	s21 =	sadd.s32 $0x200, s19  }
0x26: {  	[tilespmem:s15], [sflag:$0x1] =	stream.indirect.gather [hbm4b:s1+s14], $0x80, s20, s14, $0xb8;
	[tilespmem:$0x1D000] =	vst v63  }
0x27: {  	p0 =	sne.s32 s19, $0x9E00;
	_ =	swait.ge [sflag:s16], $0x4000  }
.Ltmp0:
0x28: {  	[sflag:s16] =	ssyncset.done $0x0;
	(pc) =	sbr.rel @p0 .LBB2_2-.Ltmp0, $4  }
0x29: {  	s19 =	sadd.s32 $0x2800, s20;
	[sflag:s16] =	ssyncadd.s32 $0xFFFFC000  }
0x2a: {  	[spmem:s3] =	stream.indirect.scatter.add.f32 [tilespmem:s15], [sflag:$0x2], $0x80, s19, s14, $0xb8;
	[tilespmem:$0x1D000] =	vst v63  }
0x2b: {  	_ =	swait.ge [sflag:s10], $0x4000  }
0x2c: {  	s19 =	smov.u32 s21;
	[sflag:s10] =	ssyncset.done $0x0  }
0x2d: {  	s18 =	sshra.s32 s18, $0x2;
	[sflag:s10] =	ssyncadd.s32 $0xFFFFC000  }
0x2e: {  	[tilespmem:s15], [sflag:$0x1] =	stream.indirect.gather [hbm4b:s1+s14], $0x80, s18, s14, $0xb8;
	[tilespmem:$0x1D000] =	vst v63  }
0x2f: {  	_ =	swait.ge [sflag:s16], $0x4000  }
0x30: {  	[sflag:s16] =	ssyncset.done $0x0  }
0x31: {  	s18 =	sadd.s32 $0x2800, s18;
	[sflag:s16] =	ssyncadd.s32 $0xFFFFC000  }
0x32: {  	[spmem:s3] =	stream.indirect.scatter.add.f32 [tilespmem:s15], [sflag:$0x2], $0x80, s18, s14, $0xb8;
	[tilespmem:$0x1D000] =	vst v63  }
0x33: {  	_ =	swait.ge [sflag:s10], $0x4000  }
0x34: {  	s17 =	sadd.s32 $0x1, s17;
	[sflag:s10] =	ssyncset.done $0x0  }
0x35: {  	p0 =	sne.s32 s17, s9;
	[sflag:s10] =	ssyncadd.s32 $0xFFFFC000  }
.Ltmp1:
0x36: {  	[bflag:$0x0] =	sbarrier.arrive $0xFFFF;
	(pc) =	sbr.rel @p0 .LBB2_1-.Ltmp1, $4  }
0x37: {  	[hbm:s8], [sflag:s12] =	dma.local [spmem:s13], $0x2800  }
0x38: {  	_ =	swait.ge [sflag:s10], $0x2800  }
0x39: {  	[sflag:s10] =	ssyncset.done $0x0  }
0x3a: {  	[sflag:s10] =	ssyncadd.s32 $0xFFFFD800  }
0x3b: {  	_ =	sfence.sel $0x180000  }
0x3c: {  	[bflag:$0x0] =	sbarrier.arrive $0xFFFF  }
0x3d: {  	p0 =	sne.s32 s0, $0x0;
	_ =	strace $0x9000004D  }
0x3e: {  	s0 =	sadd.s32 @!p0 $0x100000, s2;
	[bflag:$0x2] =	sbarrier.arrive $0xFFFF  }
0x3f: {  	[sflag:s0] =	ssyncadd.tile.s32 @!p0 $0x1;
	_ =	shalt  }
.Lfunc_end2:
_tile_overlayer_lowered:
.L_overlay_start_2:
0x40: {  	(tag) =	ssettag $0x2  }
0x41: {  	s0 =	rddreg [dreg:$0x0];
	s2 =	stileid.u32  }
0x42: {  	s1 =	rddreg [dreg:$0x1];
	p0 =	sne.s32 s2, $0x0  }
0x43: {  	s3 =	rddreg [dreg:$0x2];
	[bflag:$0x3] =	sbarrier.arrive $0xFFFF;
	s2 =	simm.s32 @!p0 $0x1C02  }
0x44: {  	[timem:s3], [sflag:s2] =	dma.local @!p0 [hbm:s0], s1  }
0x45: {  	s0 =	simm.s32 @!p0 $0x2  }
0x46: {  	_ =	swait.ge @!p0 [sflag:s0], s1  }
0x47: {  	s1 =	ssub.s32 @!p0 $0x0, s1;
	[sflag:s0] =	ssyncset.done @!p0 $0x0  }
0x48: {  	[sflag:s0] =	ssyncadd.s32 @!p0 s1  }
0x49: {  	[bflag:$0x3] =	sbarrier.arrive $0xFFFF  }
0x4a: {  	_ =	shalt  }

</sc_bundles>
